<compile_context>
chip_gen: v7x
topology: tpu7x:2x2x1
jax: 0.10.2.dev20260603
libtpu: 0.0.44.dev20260713+nightly
codegen_flags: <defaults>
</compile_context>

<pallas_src>
import functools

import numpy as np
import jax
import jax.numpy as jnp
from jax import lax
from jax.experimental import pallas as pl
from jax.experimental.pallas import tpu as pltpu
from jax.experimental.pallas import tpu_sc as plsc

_N = 16384
_K = 1024
_D = 256
_BLK = 1024
_NBLK = _N // _BLK
_P = 2048

_POOL_NP = np.random.default_rng(0).integers(0, _N, size=1 << 16)[:_P].astype(np.int32)
_FIRST_NP = np.zeros(_P, np.int32)
_FIRST_NP[np.unique(_POOL_NP, return_index=True)[1]] = 1
assert int(_FIRST_NP.sum()) >= _K



def _dist_body(x_ref, c_ref, md_ref, clo_ref, rmin_ref, ridx_ref):
    i = pl.program_id(0)
    x = x_ref[...]
    c = c_ref[...]
    x2 = jnp.sum(x * x, axis=1, keepdims=True)
    c2 = jnp.sum(c * c, axis=1)[None, :]
    m = lax.dot_general(x, c, (((1,), (1,)), ((), ())),
                        preferred_element_type=jnp.float32)
    d2 = jnp.maximum(x2 + c2 - 2.0 * m, 1e-12)

    part = d2[:, 0:128]
    for b in range(1, 8):
        part = jnp.minimum(part, d2[:, b * 128:(b + 1) * 128])
    r128 = lax.broadcasted_iota(jnp.int32, (128, 128), 0)
    c128 = lax.broadcasted_iota(jnp.int32, (128, 128), 1)
    eye = (r128 == c128).astype(jnp.float32)
    topmask = jnp.int32(-65536)
    p0 = lax.bitcast_convert_type(
        lax.bitcast_convert_type(part, jnp.int32) & topmask, jnp.float32)
    rem = part - p0
    p1 = lax.bitcast_convert_type(
        lax.bitcast_convert_type(rem, jnp.int32) & topmask, jnp.float32)
    p2 = rem - p1

    def _t(a):
        return lax.dot_general(eye, a, (((1,), (1,)), ((), ())),
                               preferred_element_type=jnp.float32)

    part_t = (_t(p0) + _t(p1)) + _t(p2)
    md_ref[...] = jnp.sqrt(jnp.min(part_t, axis=0))

    bmin = jnp.min(d2, axis=0)
    s = jnp.sqrt(bmin)
    bits = lax.bitcast_convert_type(bmin, jnp.int32)
    hi = bmin
    for du in range(1, 7):
        cand = lax.bitcast_convert_type(bits + du, jnp.float32)
        hi = jnp.where(jnp.sqrt(cand) == s, cand, hi)
    rows = lax.broadcasted_iota(jnp.int32, d2.shape, 0)
    barg = jnp.min(jnp.where(d2 <= hi[None, :], rows, _N),
                   axis=0) + i * _BLK

    @pl.when(i == 0)
    def _():
        rmin_ref[0, :] = s
        ridx_ref[0, :] = barg

    @pl.when(i > 0)
    def _():
        pmin = rmin_ref[0, :]
        better = s < pmin
        rmin_ref[0, :] = jnp.where(better, s, pmin)
        ridx_ref[0, :] = jnp.where(better, barg, ridx_ref[0, :])

    @pl.when(i == _NBLK - 1)
    def _():
        clo_ref[0, :] = ridx_ref[0, :]


_dist_call = pl.pallas_call(
    _dist_body,
    grid=(_NBLK,),
    in_specs=[
        pl.BlockSpec((_BLK, _D), lambda i: (i, 0)),
        pl.BlockSpec((_K, _D), lambda i: (0, 0)),
    ],
    out_specs=[
        pl.BlockSpec((_BLK,), lambda i: (i,)),
        pl.BlockSpec((1, _K), lambda i: (0, 0)),
    ],
    out_shape=[
        jax.ShapeDtypeStruct((_N,), jnp.float32),
        jax.ShapeDtypeStruct((1, _K), jnp.int32),
    ],
    scratch_shapes=[
        pltpu.VMEM((1, _K), jnp.float32),
        pltpu.VMEM((1, _K), jnp.int32),
    ],
)



@functools.cache
def _make_dedup_call():
    mesh = plsc.VectorSubcoreMesh(core_axis_name="c", subcore_axis_name="s",
                                  num_cores=1, num_subcores=1)
    return pl.kernel(
        _dedup_body,
        out_type=jax.ShapeDtypeStruct((_K,), jnp.int32),
        mesh=mesh,
        scratch_types=[
            pltpu.VMEM((_N,), jnp.int32),
            pltpu.VMEM((_K,), jnp.int32),
            pltpu.VMEM((_P,), jnp.int32),
            pltpu.VMEM((_P,), jnp.int32),
            pltpu.VMEM((_K,), jnp.int32),
        ],
        compiler_params=pltpu.CompilerParams(needs_layout_passes=False),
    )


def _dedup_body(clo_hbm, pool_hbm, first_hbm, zero_hbm, out_hbm,
                bitmap, clo_v, pool_v, first_v, out_v):
    cid = lax.axis_index("c")
    sid = lax.axis_index("s")

    @pl.when(jnp.logical_and(cid == 0, sid == 0))
    def _():
        pltpu.sync_copy(zero_hbm, bitmap)
        pltpu.sync_copy(clo_hbm.at[0], clo_v)
        pltpu.sync_copy(pool_hbm, pool_v)
        pltpu.sync_copy(first_hbm, first_v)

        ones = jnp.ones((16,), jnp.int32)
        lane = lax.broadcasted_iota(jnp.int32, (16,), 0)
        last = jnp.full((16,), 15, jnp.int32)

        def splat_last(v):
            return jnp.take_along_axis(v, last, axis=0)

        def _scatter(t, kv):
            v = clo_v[pl.ds(t * 16, 16)]
            pres = plsc.load_gather(bitmap, [v])
            _, lastocc = plsc.scan_count(v)
            new = jnp.logical_and(lastocc, pres == 0).astype(jnp.int32)
            plsc.store_scatter(bitmap, [v], ones)
            return kv + splat_last(plsc.cumsum(new))
        kv = lax.fori_loop(0, _K // 16, _scatter,
                           jnp.zeros((16,), jnp.int32), unroll=4)

        def _pool(t, sv):
            pv = pool_v[pl.ds(t * 16, 16)]
            fm = first_v[pl.ds(t * 16, 16)]
            pres = plsc.load_gather(bitmap, [pv])
            novel = jnp.logical_and(fm != 0, pres == 0)
            incl = plsc.cumsum(novel.astype(jnp.int32))
            sel = jnp.logical_and(novel, (sv + incl) <= _K)
            plsc.store_scatter(bitmap, [pv], ones, mask=sel)
            return jnp.minimum(sv + splat_last(incl), _K)
        lax.fori_loop(0, _P // 16, _pool, kv, unroll=4)

        def _compact(t, pos):
            for u in range(8):
                base = t * 128 + u * 16
                b = bitmap[pl.ds(base, 16)]
                incl = plsc.cumsum(b)
                plsc.store_scatter(out_v, [pos + incl - b], base + lane,
                                   mask=b != 0)
                pos = pos + splat_last(incl)
            return pos
        lax.fori_loop(0, _N // 128, _compact, jnp.zeros((16,), jnp.int32))

        pltpu.sync_copy(out_v, out_hbm)



def kernel(x, centers):
    md, clo = _dist_call(x, centers)
    idx = _make_dedup_call()(clo, jnp.asarray(_POOL_NP),
                             jnp.asarray(_FIRST_NP),
                             jnp.zeros((_N,), jnp.int32))
    return idx, md, centers

# --- scband reference (transcript-rebuilt; emitter-appended) ---
"""Pipeline reference for scband-euc-cluster-78683800862858 (READ-ONLY COPY).

The authoritative reference and input builder live on the scoring server;
editing this copy changes nothing except your own understanding.
"""

import jax, jax.numpy as jnp
import numpy as np

NUM_REPS = 1024
D_MODEL = 256
N = 16384

# Deterministic pad stream of default_rng(0).integers(0, N, ...): with a
# power-of-two range each output consumes exactly one generator word, so
# successive variable-size calls are prefixes of this single fixed pool.
_PAD_POOL = np.random.default_rng(0).integers(0, N, size=1 << 16)


def _pairwise_dists(x, centers):
    # Euclidean cdist (p=2). Torch's 'donot_use_mm_for_euclid_dist' computes the exact
    # same math sqrt(sum((x_i - c_j)^2)); we use the expanded form to avoid
    # materializing an [N, K, d] tensor, clamped for numerical safety.
    x2 = jnp.sum(x * x, axis=1, keepdims=True)            # [N, 1]
    c2 = jnp.sum(centers * centers, axis=1)[None, :]       # [1, K]
    d2 = x2 + c2 - 2.0 * (x @ centers.T)                   # [N, K]
    return jnp.sqrt(jnp.maximum(d2, 1e-12))


def find_unique_min_indices(dists):
    # lbl is None path of the torch helper: argmin over rows per column,
    # then pad with random row indices until exactly m unique indices remain.
    n, m = dists.shape
    closest = jnp.argmin(dists, axis=0)
    pool = jnp.asarray(_PAD_POOL, dtype=closest.dtype)
    i = jnp.arange(m)

    def _cond(state):
        arr, p = state
        s = jnp.sort(arr)
        return jnp.any(s[1:] == s[:-1])

    def _body(state):
        arr, p = state
        s = jnp.sort(arr)
        is_new = jnp.concatenate(
            [jnp.ones((1,), dtype=bool), s[1:] != s[:-1]]
        )
        k = jnp.sum(is_new)
        pos = jnp.cumsum(is_new) - 1
        uniq = jnp.zeros((m,), dtype=s.dtype).at[
            jnp.where(is_new, pos, m)
        ].set(s, mode="drop")
        pad = pool[jnp.clip(p + (i - k), 0, pool.shape[0] - 1)]
        arr = jnp.where(i < k, uniq, pad)
        return arr, p + (m - k)

    arr, _ = jax.lax.while_loop(
        _cond, _body, (closest, jnp.zeros((), dtype=closest.dtype))
    )
    return jnp.sort(arr).astype(jnp.int32)


def setup_inputs(seed: int = 0) -> dict:
    key = jax.random.key(seed)
    kx, kc = jax.random.split(key)
    x = jax.random.normal(kx, (N, D_MODEL), dtype=jnp.float32)
    # nn.Parameter(init_fn(torch.empty(num_reps, d_model))) with nn.init.normal_ (std=1)
    centers = jax.random.normal(kc, (NUM_REPS, D_MODEL), dtype=jnp.float32)
    return {"x": x, "centers": centers}


def reference(x, centers):
    dists = _pairwise_dists(x, centers)
    idx = find_unique_min_indices(dists)
    min_dists = jnp.min(dists, axis=1)
    return (idx, min_dists, centers)

if __name__ == "__main__":
    import jax
    _d = setup_inputs()
    print(jax.jit(kernel)(*tuple(_d.values())))

</pallas_src>

<mosaic_0001>
#map = affine_map<(d0, d1) -> (0, 0)>
#map1 = affine_map<(d0, d1) -> (0)>
module attributes {stable_mosaic.version = 14 : i64} {
  func.func @_dedup_body(%arg0: i32, %arg1: i32, %arg2: memref<1x1024xi32, #tpu.memory_space<hbm>>, %arg3: memref<2048xi32, #tpu.memory_space<hbm>>, %arg4: memref<2048xi32, #tpu.memory_space<hbm>>, %arg5: memref<16384xi32, #tpu.memory_space<hbm>>, %arg6: memref<1024xi32, #tpu.memory_space<hbm>>, %arg7: memref<16384xi32, #tpu.memory_space<vmem>>, %arg8: memref<1024xi32, #tpu.memory_space<vmem>>, %arg9: memref<2048xi32, #tpu.memory_space<vmem>>, %arg10: memref<2048xi32, #tpu.memory_space<vmem>>, %arg11: memref<1024xi32, #tpu.memory_space<vmem>>) attributes {dimension_semantics = [#tpu.dimension_semantics<core_parallel>, #tpu.dimension_semantics<subcore_parallel>], iteration_bounds = array<i64: 1, 1>, scalar_prefetch = 0 : i64, scratch_operands = 5 : i64, tpu.core_type = #tpu.core_type<sc_vector_subcore>, window_params = [{transform_indices = #map}, {transform_indices = #map1}, {transform_indices = #map1}, {transform_indices = #map1}, {transform_indices = #map1}]} {
    %eq3A = arith.constant 0 : i32
    %eq3A_0 = arith.cmpi eq, %arg0, %eq3A : i32
    %eq3A_1 = arith.constant 0 : i32
    %eq3A_2 = arith.cmpi eq, %arg1, %eq3A_1 : i32
    %and3A = arith.andi %eq3A_0, %eq3A_2 : i1
    %convert_element_type3A = arith.extui %and3A : i1 to i32
    %cond3A = arith.constant 0 : i32
    %cond3A_3 = arith.cmpi ne, %convert_element_type3A, %cond3A : i32
    scf.if %cond3A_3 {
      "tpu.region"() ({
        %run_scoped3A_28 = tpu.sem_alloc : memref<!tpu.dma_semaphore, #tpu.memory_space<semaphore_mem>>
        tpu.enqueue_dma source(%arg5 : memref<16384xi32, #tpu.memory_space<hbm>>) target(%arg7 : memref<16384xi32, #tpu.memory_space<vmem>>) target_semaphore(%run_scoped3A_28 : memref<!tpu.dma_semaphore, #tpu.memory_space<semaphore_mem>>)
        tpu.wait_dma2 semaphore(%run_scoped3A_28 : memref<!tpu.dma_semaphore, #tpu.memory_space<semaphore_mem>>) src(%arg5 : memref<16384xi32, #tpu.memory_space<hbm>>) dst(%arg7 : memref<16384xi32, #tpu.memory_space<vmem>>)
        tpu.yield
      }) : () -> ()
      %run_scoped3A = arith.constant 0 : i32
      "tpu.region"() ({
        %run_scoped3A_28 = tpu.sem_alloc : memref<!tpu.dma_semaphore, #tpu.memory_space<semaphore_mem>>
        %dma_start3A = arith.constant 0 : i32
        %dma_start3A_29 = tpu.memref_slice %arg2[%run_scoped3A, %dma_start3A] : memref<1x1024xi32, #tpu.memory_space<hbm>> -> memref<1x1024xi32, #tpu.memory_space<hbm>>
        %dma_start3A_30 = tpu.memref_squeeze %dma_start3A_29 : memref<1x1024xi32, #tpu.memory_space<hbm>> -> memref<1024xi32, #tpu.memory_space<hbm>>
        %dma_start3A_31 = arith.constant 0 : i32
        %dma_start3A_32 = tpu.memref_slice %arg2[%run_scoped3A, %dma_start3A_31] : memref<1x1024xi32, #tpu.memory_space<hbm>> -> memref<1x1024xi32, #tpu.memory_space<hbm>>
        %dma_start3A_33 = tpu.memref_squeeze %dma_start3A_32 : memref<1x1024xi32, #tpu.memory_space<hbm>> -> memref<1024xi32, #tpu.memory_space<hbm>>
        tpu.enqueue_dma source(%dma_start3A_33 : memref<1024xi32, #tpu.memory_space<hbm>>) target(%arg8 : memref<1024xi32, #tpu.memory_space<vmem>>) target_semaphore(%run_scoped3A_28 : memref<!tpu.dma_semaphore, #tpu.memory_space<semaphore_mem>>)
        %dma_wait3A = arith.constant 0 : i32
        %dma_wait3A_34 = tpu.memref_slice %arg2[%run_scoped3A, %dma_wait3A] : memref<1x1024xi32, #tpu.memory_space<hbm>> -> memref<1x1024xi32, #tpu.memory_space<hbm>>
        %dma_wait3A_35 = tpu.memref_squeeze %dma_wait3A_34 : memref<1x1024xi32, #tpu.memory_space<hbm>> -> memref<1024xi32, #tpu.memory_space<hbm>>
        %dma_wait3A_36 = arith.constant 0 : i32
        %dma_wait3A_37 = tpu.memref_slice %arg2[%run_scoped3A, %dma_wait3A_36] : memref<1x1024xi32, #tpu.memory_space<hbm>> -> memref<1x1024xi32, #tpu.memory_space<hbm>>
        %dma_wait3A_38 = tpu.memref_squeeze %dma_wait3A_37 : memref<1x1024xi32, #tpu.memory_space<hbm>> -> memref<1024xi32, #tpu.memory_space<hbm>>
        tpu.wait_dma2 semaphore(%run_scoped3A_28 : memref<!tpu.dma_semaphore, #tpu.memory_space<semaphore_mem>>) src(%dma_wait3A_38 : memref<1024xi32, #tpu.memory_space<hbm>>) dst(%arg8 : memref<1024xi32, #tpu.memory_space<vmem>>)
        tpu.yield
      }) : () -> ()
      "tpu.region"() ({
        %run_scoped3A_28 = tpu.sem_alloc : memref<!tpu.dma_semaphore, #tpu.memory_space<semaphore_mem>>
        tpu.enqueue_dma source(%arg3 : memref<2048xi32, #tpu.memory_space<hbm>>) target(%arg9 : memref<2048xi32, #tpu.memory_space<vmem>>) target_semaphore(%run_scoped3A_28 : memref<!tpu.dma_semaphore, #tpu.memory_space<semaphore_mem>>)
        tpu.wait_dma2 semaphore(%run_scoped3A_28 : memref<!tpu.dma_semaphore, #tpu.memory_space<semaphore_mem>>) src(%arg3 : memref<2048xi32, #tpu.memory_space<hbm>>) dst(%arg9 : memref<2048xi32, #tpu.memory_space<vmem>>)
        tpu.yield
      }) : () -> ()
      "tpu.region"() ({
        %run_scoped3A_28 = tpu.sem_alloc : memref<!tpu.dma_semaphore, #tpu.memory_space<semaphore_mem>>
        tpu.enqueue_dma source(%arg4 : memref<2048xi32, #tpu.memory_space<hbm>>) target(%arg10 : memref<2048xi32, #tpu.memory_space<vmem>>) target_semaphore(%run_scoped3A_28 : memref<!tpu.dma_semaphore, #tpu.memory_space<semaphore_mem>>)
        tpu.wait_dma2 semaphore(%run_scoped3A_28 : memref<!tpu.dma_semaphore, #tpu.memory_space<semaphore_mem>>) src(%arg4 : memref<2048xi32, #tpu.memory_space<hbm>>) dst(%arg10 : memref<2048xi32, #tpu.memory_space<vmem>>)
        tpu.yield
      }) : () -> ()
      %broadcast_in_dim3A = arith.constant 1 : i32
      %broadcast_in_dim3A_4 = vector.broadcast %broadcast_in_dim3A : i32 to vector<16xi32>
      %iota3A = tpu.iota {dimensions = array<i32: 0>} : vector<16xi32>
      %broadcast_in_dim3A_5 = arith.constant 15 : i32
      %broadcast_in_dim3A_6 = vector.broadcast %broadcast_in_dim3A_5 : i32 to vector<16xi32>
      %broadcast_in_dim3A_7 = arith.constant 0 : i32
      %broadcast_in_dim3A_8 = vector.broadcast %broadcast_in_dim3A_7 : i32 to vector<16xi32>
      %scan3A = arith.constant 0 : i32
      %scan3A_9 = arith.constant 64 : i32
      %scan3A_10 = arith.addi %scan3A, %scan3A_9 : i32
      %scan3A_11 = arith.constant 4 : i32
      %scan3A_12 = scf.for %scan3A_28 = %scan3A to %scan3A_10 step %scan3A_11 iter_args(%scan3A_29 = %broadcast_in_dim3A_8) -> (vector<16xi32>)  : i32 {
        %mul3A = arith.constant 16 : i32
        %mul3A_30 = arith.muli %scan3A_28, %mul3A : i32
        %get3A = arith.index_cast %mul3A_30 : i32 to index
        %get3A_31 = tpu.vector_load %arg8[%get3A] {strides = array<i32>} : memref<1024xi32, #tpu.memory_space<vmem>>, vector<16xi32>,
        %gather3A = tpu.vector_load_idx %arg7[%get3A_31] : memref<16384xi32, #tpu.memory_space<vmem>>[vector<16xi32>], vector<16xi32>,
        %broadcast_in_dim3A_32 = arith.constant true
        %broadcast_in_dim3A_33 = vector.broadcast %broadcast_in_dim3A_32 : i1 to vector<16xi1>
        %unique3A, %unique3A_34 = tpu.scan_count mask(%broadcast_in_dim3A_33 : vector<16xi1>) value(%get3A_31 : vector<16xi32>) : vector<16xi1>, vector<16xi32>
        %eq3A_35 = arith.constant 0 : i32
        %eq3A_36 = vector.broadcast %eq3A_35 : i32 to vector<16xi32>
        %eq3A_37 = arith.cmpi eq, %gather3A, %eq3A_36 : vector<16xi32>
        %and3A_38 = arith.andi %unique3A, %eq3A_37 : vector<16xi1>
        %convert_element_type3A_39 = arith.extui %and3A_38 : vector<16xi1> to vector<16xi32>
        tpu.vector_store_idx %arg7[%get3A_31], %broadcast_in_dim3A_4 : memref<16384xi32, #tpu.memory_space<vmem>>[vector<16xi32>], vector<16xi32>,
        %broadcast_in_dim3A_40 = arith.constant true
        %broadcast_in_dim3A_41 = vector.broadcast %broadcast_in_dim3A_40 : i1 to vector<16xi1>
        %masked_cumsum3A = tpu.scan <sum>, %convert_element_type3A_39 masked %broadcast_in_dim3A_41 : vector<16xi32>, vector<16xi1> -> vector<16xi32>
        %lt3A = arith.constant 0 : i32
        %lt3A_42 = vector.broadcast %lt3A : i32 to vector<16xi32>
        %lt3A_43 = arith.cmpi slt, %broadcast_in_dim3A_6, %lt3A_42 : vector<16xi32>
        %add3A = arith.constant 16 : i32
        %add3A_44 = vector.broadcast %add3A : i32 to vector<16xi32>
        %add3A_45 = arith.addi %broadcast_in_dim3A_6, %add3A_44 : vector<16xi32>
        %select_n3A = arith.select %lt3A_43, %add3A_45, %broadcast_in_dim3A_6 : vector<16xi1>, vector<16xi32>
        %reshape3A = vector.shape_cast %select_n3A : vector<16xi32> to vector<16x1xi32>
        %gather3A_46 = vector.shape_cast %reshape3A : vector<16x1xi32> to vector<16xi32>
        %gather3A_47 = tpu.dynamic_gather %masked_cumsum3A[%gather3A_46] in [0] : vector<16xi32>, vector<16xi32> -> vector<16xi32>
        %add3A_48 = arith.addi %scan3A_29, %gather3A_47 : vector<16xi32>
        %scan3A_49 = arith.constant 1 : i32
        %scan3A_50 = arith.addi %scan3A_28, %scan3A_49 : i32
        %mul3A_51 = arith.constant 16 : i32
        %mul3A_52 = arith.muli %scan3A_50, %mul3A_51 : i32
        %get3A_53 = arith.index_cast %mul3A_52 : i32 to index
        %get3A_54 = tpu.vector_load %arg8[%get3A_53] {strides = array<i32>} : memref<1024xi32, #tpu.memory_space<vmem>>, vector<16xi32>,
        %gather3A_55 = tpu.vector_load_idx %arg7[%get3A_54] : memref<16384xi32, #tpu.memory_space<vmem>>[vector<16xi32>], vector<16xi32>,
        %broadcast_in_dim3A_56 = arith.constant true
        %broadcast_in_dim3A_57 = vector.broadcast %broadcast_in_dim3A_56 : i1 to vector<16xi1>
        %unique3A_58, %unique3A_59 = tpu.scan_count mask(%broadcast_in_dim3A_57 : vector<16xi1>) value(%get3A_54 : vector<16xi32>) : vector<16xi1>, vector<16xi32>
        %eq3A_60 = arith.constant 0 : i32
        %eq3A_61 = vector.broadcast %eq3A_60 : i32 to vector<16xi32>
        %eq3A_62 = arith.cmpi eq, %gather3A_55, %eq3A_61 : vector<16xi32>
        %and3A_63 = arith.andi %unique3A_58, %eq3A_62 : vector<16xi1>
        %convert_element_type3A_64 = arith.extui %and3A_63 : vector<16xi1> to vector<16xi32>
        tpu.vector_store_idx %arg7[%get3A_54], %broadcast_in_dim3A_4 : memref<16384xi32, #tpu.memory_space<vmem>>[vector<16xi32>], vector<16xi32>,
        %broadcast_in_dim3A_65 = arith.constant true
        %broadcast_in_dim3A_66 = vector.broadcast %broadcast_in_dim3A_65 : i1 to vector<16xi1>
        %masked_cumsum3A_67 = tpu.scan <sum>, %convert_element_type3A_64 masked %broadcast_in_dim3A_66 : vector<16xi32>, vector<16xi1> -> vector<16xi32>
        %lt3A_68 = arith.constant 0 : i32
        %lt3A_69 = vector.broadcast %lt3A_68 : i32 to vector<16xi32>
        %lt3A_70 = arith.cmpi slt, %broadcast_in_dim3A_6, %lt3A_69 : vector<16xi32>
        %add3A_71 = arith.constant 16 : i32
        %add3A_72 = vector.broadcast %add3A_71 : i32 to vector<16xi32>
        %add3A_73 = arith.addi %broadcast_in_dim3A_6, %add3A_72 : vector<16xi32>
        %select_n3A_74 = arith.select %lt3A_70, %add3A_73, %broadcast_in_dim3A_6 : vector<16xi1>, vector<16xi32>
        %reshape3A_75 = vector.shape_cast %select_n3A_74 : vector<16xi32> to vector<16x1xi32>
        %gather3A_76 = vector.shape_cast %reshape3A_75 : vector<16x1xi32> to vector<16xi32>
        %gather3A_77 = tpu.dynamic_gather %masked_cumsum3A_67[%gather3A_76] in [0] : vector<16xi32>, vector<16xi32> -> vector<16xi32>
        %add3A_78 = arith.addi %add3A_48, %gather3A_77 : vector<16xi32>
        %scan3A_79 = arith.constant 2 : i32
        %scan3A_80 = arith.addi %scan3A_28, %scan3A_79 : i32
        %mul3A_81 = arith.constant 16 : i32
        %mul3A_82 = arith.muli %scan3A_80, %mul3A_81 : i32
        %get3A_83 = arith.index_cast %mul3A_82 : i32 to index
        %get3A_84 = tpu.vector_load %arg8[%get3A_83] {strides = array<i32>} : memref<1024xi32, #tpu.memory_space<vmem>>, vector<16xi32>,
        %gather3A_85 = tpu.vector_load_idx %arg7[%get3A_84] : memref<16384xi32, #tpu.memory_space<vmem>>[vector<16xi32>], vector<16xi32>,
        %broadcast_in_dim3A_86 = arith.constant true
        %broadcast_in_dim3A_87 = vector.broadcast %broadcast_in_dim3A_86 : i1 to vector<16xi1>
        %unique3A_88, %unique3A_89 = tpu.scan_count mask(%broadcast_in_dim3A_87 : vector<16xi1>) value(%get3A_84 : vector<16xi32>) : vector<16xi1>, vector<16xi32>
        %eq3A_90 = arith.constant 0 : i32
        %eq3A_91 = vector.broadcast %eq3A_90 : i32 to vector<16xi32>
        %eq3A_92 = arith.cmpi eq, %gather3A_85, %eq3A_91 : vector<16xi32>
        %and3A_93 = arith.andi %unique3A_88, %eq3A_92 : vector<16xi1>
        %convert_element_type3A_94 = arith.extui %and3A_93 : vector<16xi1> to vector<16xi32>
        tpu.vector_store_idx %arg7[%get3A_84], %broadcast_in_dim3A_4 : memref<16384xi32, #tpu.memory_space<vmem>>[vector<16xi32>], vector<16xi32>,
        %broadcast_in_dim3A_95 = arith.constant true
        %broadcast_in_dim3A_96 = vector.broadcast %broadcast_in_dim3A_95 : i1 to vector<16xi1>
        %masked_cumsum3A_97 = tpu.scan <sum>, %convert_element_type3A_94 masked %broadcast_in_dim3A_96 : vector<16xi32>, vector<16xi1> -> vector<16xi32>
        %lt3A_98 = arith.constant 0 : i32
        %lt3A_99 = vector.broadcast %lt3A_98 : i32 to vector<16xi32>
        %lt3A_100 = arith.cmpi slt, %broadcast_in_dim3A_6, %lt3A_99 : vector<16xi32>
        %add3A_101 = arith.constant 16 : i32
        %add3A_102 = vector.broadcast %add3A_101 : i32 to vector<16xi32>
        %add3A_103 = arith.addi %broadcast_in_dim3A_6, %add3A_102 : vector<16xi32>
        %select_n3A_104 = arith.select %lt3A_100, %add3A_103, %broadcast_in_dim3A_6 : vector<16xi1>, vector<16xi32>
        %reshape3A_105 = vector.shape_cast %select_n3A_104 : vector<16xi32> to vector<16x1xi32>
        %gather3A_106 = vector.shape_cast %reshape3A_105 : vector<16x1xi32> to vector<16xi32>
        %gather3A_107 = tpu.dynamic_gather %masked_cumsum3A_97[%gather3A_106] in [0] : vector<16xi32>, vector<16xi32> -> vector<16xi32>
        %add3A_108 = arith.addi %add3A_78, %gather3A_107 : vector<16xi32>
        %scan3A_109 = arith.constant 3 : i32
        %scan3A_110 = arith.addi %scan3A_28, %scan3A_109 : i32
        %mul3A_111 = arith.constant 16 : i32
        %mul3A_112 = arith.muli %scan3A_110, %mul3A_111 : i32
        %get3A_113 = arith.index_cast %mul3A_112 : i32 to index
        %get3A_114 = tpu.vector_load %arg8[%get3A_113] {strides = array<i32>} : memref<1024xi32, #tpu.memory_space<vmem>>, vector<16xi32>,
        %gather3A_115 = tpu.vector_load_idx %arg7[%get3A_114] : memref<16384xi32, #tpu.memory_space<vmem>>[vector<16xi32>], vector<16xi32>,
        %broadcast_in_dim3A_116 = arith.constant true
        %broadcast_in_dim3A_117 = vector.broadcast %broadcast_in_dim3A_116 : i1 to vector<16xi1>
        %unique3A_118, %unique3A_119 = tpu.scan_count mask(%broadcast_in_dim3A_117 : vector<16xi1>) value(%get3A_114 : vector<16xi32>) : vector<16xi1>, vector<16xi32>
        %eq3A_120 = arith.constant 0 : i32
        %eq3A_121 = vector.broadcast %eq3A_120 : i32 to vector<16xi32>
        %eq3A_122 = arith.cmpi eq, %gather3A_115, %eq3A_121 : vector<16xi32>
        %and3A_123 = arith.andi %unique3A_118, %eq3A_122 : vector<16xi1>
        %convert_element_type3A_124 = arith.extui %and3A_123 : vector<16xi1> to vector<16xi32>
        tpu.vector_store_idx %arg7[%get3A_114], %broadcast_in_dim3A_4 : memref<16384xi32, #tpu.memory_space<vmem>>[vector<16xi32>], vector<16xi32>,
        %broadcast_in_dim3A_125 = arith.constant true
        %broadcast_in_dim3A_126 = vector.broadcast %broadcast_in_dim3A_125 : i1 to vector<16xi1>
        %masked_cumsum3A_127 = tpu.scan <sum>, %convert_element_type3A_124 masked %broadcast_in_dim3A_126 : vector<16xi32>, vector<16xi1> -> vector<16xi32>
        %lt3A_128 = arith.constant 0 : i32
        %lt3A_129 = vector.broadcast %lt3A_128 : i32 to vector<16xi32>
        %lt3A_130 = arith.cmpi slt, %broadcast_in_dim3A_6, %lt3A_129 : vector<16xi32>
        %add3A_131 = arith.constant 16 : i32
        %add3A_132 = vector.broadcast %add3A_131 : i32 to vector<16xi32>
        %add3A_133 = arith.addi %broadcast_in_dim3A_6, %add3A_132 : vector<16xi32>
        %select_n3A_134 = arith.select %lt3A_130, %add3A_133, %broadcast_in_dim3A_6 : vector<16xi1>, vector<16xi32>
        %reshape3A_135 = vector.shape_cast %select_n3A_134 : vector<16xi32> to vector<16x1xi32>
        %gather3A_136 = vector.shape_cast %reshape3A_135 : vector<16x1xi32> to vector<16xi32>
        %gather3A_137 = tpu.dynamic_gather %masked_cumsum3A_127[%gather3A_136] in [0] : vector<16xi32>, vector<16xi32> -> vector<16xi32>
        %add3A_138 = arith.addi %add3A_108, %gather3A_137 : vector<16xi32>
        scf.yield %add3A_138 : vector<16xi32>
      }
      %scan3A_13 = arith.constant 64 : i32
      %scan3A_14 = arith.constant 0 : i32
      %scan3A_15 = arith.constant 128 : i32
      %scan3A_16 = arith.addi %scan3A_14, %scan3A_15 : i32
      %scan3A_17 = arith.constant 4 : i32
      %scan3A_18 = scf.for %scan3A_28 = %scan3A_14 to %scan3A_16 step %scan3A_17 iter_args(%scan3A_29 = %scan3A_12) -> (vector<16xi32>)  : i32 {
        %mul3A = arith.constant 16 : i32
        %mul3A_30 = arith.muli %scan3A_28, %mul3A : i32
        %get3A = arith.index_cast %mul3A_30 : i32 to index
        %get3A_31 = tpu.vector_load %arg9[%get3A] {strides = array<i32>} : memref<2048xi32, #tpu.memory_space<vmem>>, vector<16xi32>,
        %mul3A_32 = arith.constant 16 : i32
        %mul3A_33 = arith.muli %scan3A_28, %mul3A_32 : i32
        %get3A_34 = arith.index_cast %mul3A_33 : i32 to index
        %get3A_35 = tpu.vector_load %arg10[%get3A_34] {strides = array<i32>} : memref<2048xi32, #tpu.memory_space<vmem>>, vector<16xi32>,
        %gather3A = tpu.vector_load_idx %arg7[%get3A_31] : memref<16384xi32, #tpu.memory_space<vmem>>[vector<16xi32>], vector<16xi32>,
        %ne3A = arith.constant 0 : i32
        %ne3A_36 = vector.broadcast %ne3A : i32 to vector<16xi32>
        %ne3A_37 = arith.cmpi ne, %get3A_35, %ne3A_36 : vector<16xi32>
        %eq3A_38 = arith.constant 0 : i32
        %eq3A_39 = vector.broadcast %eq3A_38 : i32 to vector<16xi32>
        %eq3A_40 = arith.cmpi eq, %gather3A, %eq3A_39 : vector<16xi32>
        %and3A_41 = arith.andi %ne3A_37, %eq3A_40 : vector<16xi1>
        %convert_element_type3A_42 = arith.extui %and3A_41 : vector<16xi1> to vector<16xi32>
        %broadcast_in_dim3A_43 = arith.constant true
        %broadcast_in_dim3A_44 = vector.broadcast %broadcast_in_dim3A_43 : i1 to vector<16xi1>
        %masked_cumsum3A = tpu.scan <sum>, %convert_element_type3A_42 masked %broadcast_in_dim3A_44 : vector<16xi32>, vector<16xi1> -> vector<16xi32>
        %add3A = arith.addi %scan3A_29, %masked_cumsum3A : vector<16xi32>
        %le3A = arith.constant 1024 : i32
        %le3A_45 = vector.broadcast %le3A : i32 to vector<16xi32>
        %le3A_46 = arith.cmpi sle, %add3A, %le3A_45 : vector<16xi32>
        %and3A_47 = arith.andi %and3A_41, %le3A_46 : vector<16xi1>
        tpu.vector_store_idx %arg7[%get3A_31], %broadcast_in_dim3A_4 masked %and3A_47 : memref<16384xi32, #tpu.memory_space<vmem>>[vector<16xi32>], vector<16xi32>, vector<16xi1>
        %lt3A = arith.constant 0 : i32
        %lt3A_48 = vector.broadcast %lt3A : i32 to vector<16xi32>
        %lt3A_49 = arith.cmpi slt, %broadcast_in_dim3A_6, %lt3A_48 : vector<16xi32>
        %add3A_50 = arith.constant 16 : i32
        %add3A_51 = vector.broadcast %add3A_50 : i32 to vector<16xi32>
        %add3A_52 = arith.addi %broadcast_in_dim3A_6, %add3A_51 : vector<16xi32>
        %select_n3A = arith.select %lt3A_49, %add3A_52, %broadcast_in_dim3A_6 : vector<16xi1>, vector<16xi32>
        %reshape3A = vector.shape_cast %select_n3A : vector<16xi32> to vector<16x1xi32>
        %gather3A_53 = vector.shape_cast %reshape3A : vector<16x1xi32> to vector<16xi32>
        %gather3A_54 = tpu.dynamic_gather %masked_cumsum3A[%gather3A_53] in [0] : vector<16xi32>, vector<16xi32> -> vector<16xi32>
        %add3A_55 = arith.addi %scan3A_29, %gather3A_54 : vector<16xi32>
        %min3A = arith.constant 1024 : i32
        %min3A_56 = vector.broadcast %min3A : i32 to vector<16xi32>
        %min3A_57 = arith.minsi %add3A_55, %min3A_56 : vector<16xi32>
        %scan3A_58 = arith.constant 1 : i32
        %scan3A_59 = arith.addi %scan3A_28, %scan3A_58 : i32
        %mul3A_60 = arith.constant 16 : i32
        %mul3A_61 = arith.muli %scan3A_59, %mul3A_60 : i32
        %get3A_62 = arith.index_cast %mul3A_61 : i32 to index
        %get3A_63 = tpu.vector_load %arg9[%get3A_62] {strides = array<i32>} : memref<2048xi32, #tpu.memory_space<vmem>>, vector<16xi32>,
        %mul3A_64 = arith.constant 16 : i32
        %mul3A_65 = arith.muli %scan3A_59, %mul3A_64 : i32
        %get3A_66 = arith.index_cast %mul3A_65 : i32 to index
        %get3A_67 = tpu.vector_load %arg10[%get3A_66] {strides = array<i32>} : memref<2048xi32, #tpu.memory_space<vmem>>, vector<16xi32>,
        %gather3A_68 = tpu.vector_load_idx %arg7[%get3A_63] : memref<16384xi32, #tpu.memory_space<vmem>>[vector<16xi32>], vector<16xi32>,
        %ne3A_69 = arith.constant 0 : i32
        %ne3A_70 = vector.broadcast %ne3A_69 : i32 to vector<16xi32>
        %ne3A_71 = arith.cmpi ne, %get3A_67, %ne3A_70 : vector<16xi32>
        %eq3A_72 = arith.constant 0 : i32
        %eq3A_73 = vector.broadcast %eq3A_72 : i32 to vector<16xi32>
        %eq3A_74 = arith.cmpi eq, %gather3A_68, %eq3A_73 : vector<16xi32>
        %and3A_75 = arith.andi %ne3A_71, %eq3A_74 : vector<16xi1>
        %convert_element_type3A_76 = arith.extui %and3A_75 : vector<16xi1> to vector<16xi32>
        %broadcast_in_dim3A_77 = arith.constant true
        %broadcast_in_dim3A_78 = vector.broadcast %broadcast_in_dim3A_77 : i1 to vector<16xi1>
        %masked_cumsum3A_79 = tpu.scan <sum>, %convert_element_type3A_76 masked %broadcast_in_dim3A_78 : vector<16xi32>, vector<16xi1> -> vector<16xi32>
        %add3A_80 = arith.addi %min3A_57, %masked_cumsum3A_79 : vector<16xi32>
        %le3A_81 = arith.constant 1024 : i32
        %le3A_82 = vector.broadcast %le3A_81 : i32 to vector<16xi32>
        %le3A_83 = arith.cmpi sle, %add3A_80, %le3A_82 : vector<16xi32>
        %and3A_84 = arith.andi %and3A_75, %le3A_83 : vector<16xi1>
        tpu.vector_store_idx %arg7[%get3A_63], %broadcast_in_dim3A_4 masked %and3A_84 : memref<16384xi32, #tpu.memory_space<vmem>>[vector<16xi32>], vector<16xi32>, vector<16xi1>
        %lt3A_85 = arith.constant 0 : i32
        %lt3A_86 = vector.broadcast %lt3A_85 : i32 to vector<16xi32>
        %lt3A_87 = arith.cmpi slt, %broadcast_in_dim3A_6, %lt3A_86 : vector<16xi32>
        %add3A_88 = arith.constant 16 : i32
        %add3A_89 = vector.broadcast %add3A_88 : i32 to vector<16xi32>
        %add3A_90 = arith.addi %broadcast_in_dim3A_6, %add3A_89 : vector<16xi32>
        %select_n3A_91 = arith.select %lt3A_87, %add3A_90, %broadcast_in_dim3A_6 : vector<16xi1>, vector<16xi32>
        %reshape3A_92 = vector.shape_cast %select_n3A_91 : vector<16xi32> to vector<16x1xi32>
        %gather3A_93 = vector.shape_cast %reshape3A_92 : vector<16x1xi32> to vector<16xi32>
        %gather3A_94 = tpu.dynamic_gather %masked_cumsum3A_79[%gather3A_93] in [0] : vector<16xi32>, vector<16xi32> -> vector<16xi32>
        %add3A_95 = arith.addi %min3A_57, %gather3A_94 : vector<16xi32>
        %min3A_96 = arith.constant 1024 : i32
        %min3A_97 = vector.broadcast %min3A_96 : i32 to vector<16xi32>
        %min3A_98 = arith.minsi %add3A_95, %min3A_97 : vector<16xi32>
        %scan3A_99 = arith.constant 2 : i32
        %scan3A_100 = arith.addi %scan3A_28, %scan3A_99 : i32
        %mul3A_101 = arith.constant 16 : i32
        %mul3A_102 = arith.muli %scan3A_100, %mul3A_101 : i32
        %get3A_103 = arith.index_cast %mul3A_102 : i32 to index
        %get3A_104 = tpu.vector_load %arg9[%get3A_103] {strides = array<i32>} : memref<2048xi32, #tpu.memory_space<vmem>>, vector<16xi32>,
        %mul3A_105 = arith.constant 16 : i32
        %mul3A_106 = arith.muli %scan3A_100, %mul3A_105 : i32
        %get3A_107 = arith.index_cast %mul3A_106 : i32 to index
        %get3A_108 = tpu.vector_load %arg10[%get3A_107] {strides = array<i32>} : memref<2048xi32, #tpu.memory_space<vmem>>, vector<16xi32>,
        %gather3A_109 = tpu.vector_load_idx %arg7[%get3A_104] : memref<16384xi32, #tpu.memory_space<vmem>>[vector<16xi32>], vector<16xi32>,
        %ne3A_110 = arith.constant 0 : i32
        %ne3A_111 = vector.broadcast %ne3A_110 : i32 to vector<16xi32>
        %ne3A_112 = arith.cmpi ne, %get3A_108, %ne3A_111 : vector<16xi32>
        %eq3A_113 = arith.constant 0 : i32
        %eq3A_114 = vector.broadcast %eq3A_113 : i32 to vector<16xi32>
        %eq3A_115 = arith.cmpi eq, %gather3A_109, %eq3A_114 : vector<16xi32>
        %and3A_116 = arith.andi %ne3A_112, %eq3A_115 : vector<16xi1>
        %convert_element_type3A_117 = arith.extui %and3A_116 : vector<16xi1> to vector<16xi32>
        %broadcast_in_dim3A_118 = arith.constant true
        %broadcast_in_dim3A_119 = vector.broadcast %broadcast_in_dim3A_118 : i1 to vector<16xi1>
        %masked_cumsum3A_120 = tpu.scan <sum>, %convert_element_type3A_117 masked %broadcast_in_dim3A_119 : vector<16xi32>, vector<16xi1> -> vector<16xi32>
        %add3A_121 = arith.addi %min3A_98, %masked_cumsum3A_120 : vector<16xi32>
        %le3A_122 = arith.constant 1024 : i32
        %le3A_123 = vector.broadcast %le3A_122 : i32 to vector<16xi32>
        %le3A_124 = arith.cmpi sle, %add3A_121, %le3A_123 : vector<16xi32>
        %and3A_125 = arith.andi %and3A_116, %le3A_124 : vector<16xi1>
        tpu.vector_store_idx %arg7[%get3A_104], %broadcast_in_dim3A_4 masked %and3A_125 : memref<16384xi32, #tpu.memory_space<vmem>>[vector<16xi32>], vector<16xi32>, vector<16xi1>
        %lt3A_126 = arith.constant 0 : i32
        %lt3A_127 = vector.broadcast %lt3A_126 : i32 to vector<16xi32>
        %lt3A_128 = arith.cmpi slt, %broadcast_in_dim3A_6, %lt3A_127 : vector<16xi32>
        %add3A_129 = arith.constant 16 : i32
        %add3A_130 = vector.broadcast %add3A_129 : i32 to vector<16xi32>
        %add3A_131 = arith.addi %broadcast_in_dim3A_6, %add3A_130 : vector<16xi32>
        %select_n3A_132 = arith.select %lt3A_128, %add3A_131, %broadcast_in_dim3A_6 : vector<16xi1>, vector<16xi32>
        %reshape3A_133 = vector.shape_cast %select_n3A_132 : vector<16xi32> to vector<16x1xi32>
        %gather3A_134 = vector.shape_cast %reshape3A_133 : vector<16x1xi32> to vector<16xi32>
        %gather3A_135 = tpu.dynamic_gather %masked_cumsum3A_120[%gather3A_134] in [0] : vector<16xi32>, vector<16xi32> -> vector<16xi32>
        %add3A_136 = arith.addi %min3A_98, %gather3A_135 : vector<16xi32>
        %min3A_137 = arith.constant 1024 : i32
        %min3A_138 = vector.broadcast %min3A_137 : i32 to vector<16xi32>
        %min3A_139 = arith.minsi %add3A_136, %min3A_138 : vector<16xi32>
        %scan3A_140 = arith.constant 3 : i32
        %scan3A_141 = arith.addi %scan3A_28, %scan3A_140 : i32
        %mul3A_142 = arith.constant 16 : i32
        %mul3A_143 = arith.muli %scan3A_141, %mul3A_142 : i32
        %get3A_144 = arith.index_cast %mul3A_143 : i32 to index
        %get3A_145 = tpu.vector_load %arg9[%get3A_144] {strides = array<i32>} : memref<2048xi32, #tpu.memory_space<vmem>>, vector<16xi32>,
        %mul3A_146 = arith.constant 16 : i32
        %mul3A_147 = arith.muli %scan3A_141, %mul3A_146 : i32
        %get3A_148 = arith.index_cast %mul3A_147 : i32 to index
        %get3A_149 = tpu.vector_load %arg10[%get3A_148] {strides = array<i32>} : memref<2048xi32, #tpu.memory_space<vmem>>, vector<16xi32>,
        %gather3A_150 = tpu.vector_load_idx %arg7[%get3A_145] : memref<16384xi32, #tpu.memory_space<vmem>>[vector<16xi32>], vector<16xi32>,
        %ne3A_151 = arith.constant 0 : i32
        %ne3A_152 = vector.broadcast %ne3A_151 : i32 to vector<16xi32>
        %ne3A_153 = arith.cmpi ne, %get3A_149, %ne3A_152 : vector<16xi32>
        %eq3A_154 = arith.constant 0 : i32
        %eq3A_155 = vector.broadcast %eq3A_154 : i32 to vector<16xi32>
        %eq3A_156 = arith.cmpi eq, %gather3A_150, %eq3A_155 : vector<16xi32>
        %and3A_157 = arith.andi %ne3A_153, %eq3A_156 : vector<16xi1>
        %convert_element_type3A_158 = arith.extui %and3A_157 : vector<16xi1> to vector<16xi32>
        %broadcast_in_dim3A_159 = arith.constant true
        %broadcast_in_dim3A_160 = vector.broadcast %broadcast_in_dim3A_159 : i1 to vector<16xi1>
        %masked_cumsum3A_161 = tpu.scan <sum>, %convert_element_type3A_158 masked %broadcast_in_dim3A_160 : vector<16xi32>, vector<16xi1> -> vector<16xi32>
        %add3A_162 = arith.addi %min3A_139, %masked_cumsum3A_161 : vector<16xi32>
        %le3A_163 = arith.constant 1024 : i32
        %le3A_164 = vector.broadcast %le3A_163 : i32 to vector<16xi32>
        %le3A_165 = arith.cmpi sle, %add3A_162, %le3A_164 : vector<16xi32>
        %and3A_166 = arith.andi %and3A_157, %le3A_165 : vector<16xi1>
        tpu.vector_store_idx %arg7[%get3A_145], %broadcast_in_dim3A_4 masked %and3A_166 : memref<16384xi32, #tpu.memory_space<vmem>>[vector<16xi32>], vector<16xi32>, vector<16xi1>
        %lt3A_167 = arith.constant 0 : i32
        %lt3A_168 = vector.broadcast %lt3A_167 : i32 to vector<16xi32>
        %lt3A_169 = arith.cmpi slt, %broadcast_in_dim3A_6, %lt3A_168 : vector<16xi32>
        %add3A_170 = arith.constant 16 : i32
        %add3A_171 = vector.broadcast %add3A_170 : i32 to vector<16xi32>
        %add3A_172 = arith.addi %broadcast_in_dim3A_6, %add3A_171 : vector<16xi32>
        %select_n3A_173 = arith.select %lt3A_169, %add3A_172, %broadcast_in_dim3A_6 : vector<16xi1>, vector<16xi32>
        %reshape3A_174 = vector.shape_cast %select_n3A_173 : vector<16xi32> to vector<16x1xi32>
        %gather3A_175 = vector.shape_cast %reshape3A_174 : vector<16x1xi32> to vector<16xi32>
        %gather3A_176 = tpu.dynamic_gather %masked_cumsum3A_161[%gather3A_175] in [0] : vector<16xi32>, vector<16xi32> -> vector<16xi32>
        %add3A_177 = arith.addi %min3A_139, %gather3A_176 : vector<16xi32>
        %min3A_178 = arith.constant 1024 : i32
        %min3A_179 = vector.broadcast %min3A_178 : i32 to vector<16xi32>
        %min3A_180 = arith.minsi %add3A_177, %min3A_179 : vector<16xi32>
        scf.yield %min3A_180 : vector<16xi32>
      }
      %scan3A_19 = arith.constant 128 : i32
      %broadcast_in_dim3A_20 = arith.constant 0 : i32
      %broadcast_in_dim3A_21 = vector.broadcast %broadcast_in_dim3A_20 : i32 to vector<16xi32>
      %scan3A_22 = arith.constant 0 : i32
      %scan3A_23 = arith.constant 128 : i32
      %scan3A_24 = arith.addi %scan3A_22, %scan3A_23 : i32
      %scan3A_25 = arith.constant 1 : i32
      %scan3A_26 = scf.for %scan3A_28 = %scan3A_22 to %scan3A_24 step %scan3A_25 iter_args(%scan3A_29 = %broadcast_in_dim3A_21) -> (vector<16xi32>)  : i32 {
        %mul3A = arith.constant 128 : i32
        %mul3A_30 = arith.muli %scan3A_28, %mul3A : i32
        %add3A = arith.constant 0 : i32
        %add3A_31 = arith.addi %mul3A_30, %add3A : i32
        %get3A = arith.index_cast %add3A_31 : i32 to index
        %get3A_32 = tpu.vector_load %arg7[%get3A] {strides = array<i32>} : memref<16384xi32, #tpu.memory_space<vmem>>, vector<16xi32>,
        %broadcast_in_dim3A_33 = arith.constant true
        %broadcast_in_dim3A_34 = vector.broadcast %broadcast_in_dim3A_33 : i1 to vector<16xi1>
        %masked_cumsum3A = tpu.scan <sum>, %get3A_32 masked %broadcast_in_dim3A_34 : vector<16xi32>, vector<16xi1> -> vector<16xi32>
        %add3A_35 = arith.addi %scan3A_29, %masked_cumsum3A : vector<16xi32>
        %sub3A = arith.subi %add3A_35, %get3A_32 : vector<16xi32>
        %add3A_36 = vector.broadcast %add3A_31 : i32 to vector<16xi32>
        %add3A_37 = arith.addi %add3A_36, %iota3A : vector<16xi32>
        %ne3A = arith.constant 0 : i32
        %ne3A_38 = vector.broadcast %ne3A : i32 to vector<16xi32>
        %ne3A_39 = arith.cmpi ne, %get3A_32, %ne3A_38 : vector<16xi32>
        tpu.vector_store_idx %arg11[%sub3A], %add3A_37 masked %ne3A_39 : memref<1024xi32, #tpu.memory_space<vmem>>[vector<16xi32>], vector<16xi32>, vector<16xi1>
        %lt3A = arith.constant 0 : i32
        %lt3A_40 = vector.broadcast %lt3A : i32 to vector<16xi32>
        %lt3A_41 = arith.cmpi slt, %broadcast_in_dim3A_6, %lt3A_40 : vector<16xi32>
        %add3A_42 = arith.constant 16 : i32
        %add3A_43 = vector.broadcast %add3A_42 : i32 to vector<16xi32>
        %add3A_44 = arith.addi %broadcast_in_dim3A_6, %add3A_43 : vector<16xi32>
        %select_n3A = arith.select %lt3A_41, %add3A_44, %broadcast_in_dim3A_6 : vector<16xi1>, vector<16xi32>
        %reshape3A = vector.shape_cast %select_n3A : vector<16xi32> to vector<16x1xi32>
        %gather3A = vector.shape_cast %reshape3A : vector<16x1xi32> to vector<16xi32>
        %gather3A_45 = tpu.dynamic_gather %masked_cumsum3A[%gather3A] in [0] : vector<16xi32>, vector<16xi32> -> vector<16xi32>
        %add3A_46 = arith.addi %scan3A_29, %gather3A_45 : vector<16xi32>
        %mul3A_47 = arith.constant 128 : i32
        %mul3A_48 = arith.muli %scan3A_28, %mul3A_47 : i32
        %add3A_49 = arith.constant 16 : i32
        %add3A_50 = arith.addi %mul3A_48, %add3A_49 : i32
        %get3A_51 = arith.index_cast %add3A_50 : i32 to index
        %get3A_52 = tpu.vector_load %arg7[%get3A_51] {strides = array<i32>} : memref<16384xi32, #tpu.memory_space<vmem>>, vector<16xi32>,
        %broadcast_in_dim3A_53 = arith.constant true
        %broadcast_in_dim3A_54 = vector.broadcast %broadcast_in_dim3A_53 : i1 to vector<16xi1>
        %masked_cumsum3A_55 = tpu.scan <sum>, %get3A_52 masked %broadcast_in_dim3A_54 : vector<16xi32>, vector<16xi1> -> vector<16xi32>
        %add3A_56 = arith.addi %add3A_46, %masked_cumsum3A_55 : vector<16xi32>
        %sub3A_57 = arith.subi %add3A_56, %get3A_52 : vector<16xi32>
        %add3A_58 = vector.broadcast %add3A_50 : i32 to vector<16xi32>
        %add3A_59 = arith.addi %add3A_58, %iota3A : vector<16xi32>
        %ne3A_60 = arith.constant 0 : i32
        %ne3A_61 = vector.broadcast %ne3A_60 : i32 to vector<16xi32>
        %ne3A_62 = arith.cmpi ne, %get3A_52, %ne3A_61 : vector<16xi32>
        tpu.vector_store_idx %arg11[%sub3A_57], %add3A_59 masked %ne3A_62 : memref<1024xi32, #tpu.memory_space<vmem>>[vector<16xi32>], vector<16xi32>, vector<16xi1>
        %lt3A_63 = arith.constant 0 : i32
        %lt3A_64 = vector.broadcast %lt3A_63 : i32 to vector<16xi32>
        %lt3A_65 = arith.cmpi slt, %broadcast_in_dim3A_6, %lt3A_64 : vector<16xi32>
        %add3A_66 = arith.constant 16 : i32
        %add3A_67 = vector.broadcast %add3A_66 : i32 to vector<16xi32>
        %add3A_68 = arith.addi %broadcast_in_dim3A_6, %add3A_67 : vector<16xi32>
        %select_n3A_69 = arith.select %lt3A_65, %add3A_68, %broadcast_in_dim3A_6 : vector<16xi1>, vector<16xi32>
        %reshape3A_70 = vector.shape_cast %select_n3A_69 : vector<16xi32> to vector<16x1xi32>
        %gather3A_71 = vector.shape_cast %reshape3A_70 : vector<16x1xi32> to vector<16xi32>
        %gather3A_72 = tpu.dynamic_gather %masked_cumsum3A_55[%gather3A_71] in [0] : vector<16xi32>, vector<16xi32> -> vector<16xi32>
        %add3A_73 = arith.addi %add3A_46, %gather3A_72 : vector<16xi32>
        %mul3A_74 = arith.constant 128 : i32
        %mul3A_75 = arith.muli %scan3A_28, %mul3A_74 : i32
        %add3A_76 = arith.constant 32 : i32
        %add3A_77 = arith.addi %mul3A_75, %add3A_76 : i32
        %get3A_78 = arith.index_cast %add3A_77 : i32 to index
        %get3A_79 = tpu.vector_load %arg7[%get3A_78] {strides = array<i32>} : memref<16384xi32, #tpu.memory_space<vmem>>, vector<16xi32>,
        %broadcast_in_dim3A_80 = arith.constant true
        %broadcast_in_dim3A_81 = vector.broadcast %broadcast_in_dim3A_80 : i1 to vector<16xi1>
        %masked_cumsum3A_82 = tpu.scan <sum>, %get3A_79 masked %broadcast_in_dim3A_81 : vector<16xi32>, vector<16xi1> -> vector<16xi32>
        %add3A_83 = arith.addi %add3A_73, %masked_cumsum3A_82 : vector<16xi32>
        %sub3A_84 = arith.subi %add3A_83, %get3A_79 : vector<16xi32>
        %add3A_85 = vector.broadcast %add3A_77 : i32 to vector<16xi32>
        %add3A_86 = arith.addi %add3A_85, %iota3A : vector<16xi32>
        %ne3A_87 = arith.constant 0 : i32
        %ne3A_88 = vector.broadcast %ne3A_87 : i32 to vector<16xi32>
        %ne3A_89 = arith.cmpi ne, %get3A_79, %ne3A_88 : vector<16xi32>
        tpu.vector_store_idx %arg11[%sub3A_84], %add3A_86 masked %ne3A_89 : memref<1024xi32, #tpu.memory_space<vmem>>[vector<16xi32>], vector<16xi32>, vector<16xi1>
        %lt3A_90 = arith.constant 0 : i32
        %lt3A_91 = vector.broadcast %lt3A_90 : i32 to vector<16xi32>
        %lt3A_92 = arith.cmpi slt, %broadcast_in_dim3A_6, %lt3A_91 : vector<16xi32>
        %add3A_93 = arith.constant 16 : i32
        %add3A_94 = vector.broadcast %add3A_93 : i32 to vector<16xi32>
        %add3A_95 = arith.addi %broadcast_in_dim3A_6, %add3A_94 : vector<16xi32>
        %select_n3A_96 = arith.select %lt3A_92, %add3A_95, %broadcast_in_dim3A_6 : vector<16xi1>, vector<16xi32>
        %reshape3A_97 = vector.shape_cast %select_n3A_96 : vector<16xi32> to vector<16x1xi32>
        %gather3A_98 = vector.shape_cast %reshape3A_97 : vector<16x1xi32> to vector<16xi32>
        %gather3A_99 = tpu.dynamic_gather %masked_cumsum3A_82[%gather3A_98] in [0] : vector<16xi32>, vector<16xi32> -> vector<16xi32>
        %add3A_100 = arith.addi %add3A_73, %gather3A_99 : vector<16xi32>
        %mul3A_101 = arith.constant 128 : i32
        %mul3A_102 = arith.muli %scan3A_28, %mul3A_101 : i32
        %add3A_103 = arith.constant 48 : i32
        %add3A_104 = arith.addi %mul3A_102, %add3A_103 : i32
        %get3A_105 = arith.index_cast %add3A_104 : i32 to index
        %get3A_106 = tpu.vector_load %arg7[%get3A_105] {strides = array<i32>} : memref<16384xi32, #tpu.memory_space<vmem>>, vector<16xi32>,
        %broadcast_in_dim3A_107 = arith.constant true
        %broadcast_in_dim3A_108 = vector.broadcast %broadcast_in_dim3A_107 : i1 to vector<16xi1>
        %masked_cumsum3A_109 = tpu.scan <sum>, %get3A_106 masked %broadcast_in_dim3A_108 : vector<16xi32>, vector<16xi1> -> vector<16xi32>
        %add3A_110 = arith.addi %add3A_100, %masked_cumsum3A_109 : vector<16xi32>
        %sub3A_111 = arith.subi %add3A_110, %get3A_106 : vector<16xi32>
        %add3A_112 = vector.broadcast %add3A_104 : i32 to vector<16xi32>
        %add3A_113 = arith.addi %add3A_112, %iota3A : vector<16xi32>
        %ne3A_114 = arith.constant 0 : i32
        %ne3A_115 = vector.broadcast %ne3A_114 : i32 to vector<16xi32>
        %ne3A_116 = arith.cmpi ne, %get3A_106, %ne3A_115 : vector<16xi32>
        tpu.vector_store_idx %arg11[%sub3A_111], %add3A_113 masked %ne3A_116 : memref<1024xi32, #tpu.memory_space<vmem>>[vector<16xi32>], vector<16xi32>, vector<16xi1>
        %lt3A_117 = arith.constant 0 : i32
        %lt3A_118 = vector.broadcast %lt3A_117 : i32 to vector<16xi32>
        %lt3A_119 = arith.cmpi slt, %broadcast_in_dim3A_6, %lt3A_118 : vector<16xi32>
        %add3A_120 = arith.constant 16 : i32
        %add3A_121 = vector.broadcast %add3A_120 : i32 to vector<16xi32>
        %add3A_122 = arith.addi %broadcast_in_dim3A_6, %add3A_121 : vector<16xi32>
        %select_n3A_123 = arith.select %lt3A_119, %add3A_122, %broadcast_in_dim3A_6 : vector<16xi1>, vector<16xi32>
        %reshape3A_124 = vector.shape_cast %select_n3A_123 : vector<16xi32> to vector<16x1xi32>
        %gather3A_125 = vector.shape_cast %reshape3A_124 : vector<16x1xi32> to vector<16xi32>
        %gather3A_126 = tpu.dynamic_gather %masked_cumsum3A_109[%gather3A_125] in [0] : vector<16xi32>, vector<16xi32> -> vector<16xi32>
        %add3A_127 = arith.addi %add3A_100, %gather3A_126 : vector<16xi32>
        %mul3A_128 = arith.constant 128 : i32
        %mul3A_129 = arith.muli %scan3A_28, %mul3A_128 : i32
        %add3A_130 = arith.constant 64 : i32
        %add3A_131 = arith.addi %mul3A_129, %add3A_130 : i32
        %get3A_132 = arith.index_cast %add3A_131 : i32 to index
        %get3A_133 = tpu.vector_load %arg7[%get3A_132] {strides = array<i32>} : memref<16384xi32, #tpu.memory_space<vmem>>, vector<16xi32>,
        %broadcast_in_dim3A_134 = arith.constant true
        %broadcast_in_dim3A_135 = vector.broadcast %broadcast_in_dim3A_134 : i1 to vector<16xi1>
        %masked_cumsum3A_136 = tpu.scan <sum>, %get3A_133 masked %broadcast_in_dim3A_135 : vector<16xi32>, vector<16xi1> -> vector<16xi32>
        %add3A_137 = arith.addi %add3A_127, %masked_cumsum3A_136 : vector<16xi32>
        %sub3A_138 = arith.subi %add3A_137, %get3A_133 : vector<16xi32>
        %add3A_139 = vector.broadcast %add3A_131 : i32 to vector<16xi32>
        %add3A_140 = arith.addi %add3A_139, %iota3A : vector<16xi32>
        %ne3A_141 = arith.constant 0 : i32
        %ne3A_142 = vector.broadcast %ne3A_141 : i32 to vector<16xi32>
        %ne3A_143 = arith.cmpi ne, %get3A_133, %ne3A_142 : vector<16xi32>
        tpu.vector_store_idx %arg11[%sub3A_138], %add3A_140 masked %ne3A_143 : memref<1024xi32, #tpu.memory_space<vmem>>[vector<16xi32>], vector<16xi32>, vector<16xi1>
        %lt3A_144 = arith.constant 0 : i32
        %lt3A_145 = vector.broadcast %lt3A_144 : i32 to vector<16xi32>
        %lt3A_146 = arith.cmpi slt, %broadcast_in_dim3A_6, %lt3A_145 : vector<16xi32>
        %add3A_147 = arith.constant 16 : i32
        %add3A_148 = vector.broadcast %add3A_147 : i32 to vector<16xi32>
        %add3A_149 = arith.addi %broadcast_in_dim3A_6, %add3A_148 : vector<16xi32>
        %select_n3A_150 = arith.select %lt3A_146, %add3A_149, %broadcast_in_dim3A_6 : vector<16xi1>, vector<16xi32>
        %reshape3A_151 = vector.shape_cast %select_n3A_150 : vector<16xi32> to vector<16x1xi32>
        %gather3A_152 = vector.shape_cast %reshape3A_151 : vector<16x1xi32> to vector<16xi32>
        %gather3A_153 = tpu.dynamic_gather %masked_cumsum3A_136[%gather3A_152] in [0] : vector<16xi32>, vector<16xi32> -> vector<16xi32>
        %add3A_154 = arith.addi %add3A_127, %gather3A_153 : vector<16xi32>
        %mul3A_155 = arith.constant 128 : i32
        %mul3A_156 = arith.muli %scan3A_28, %mul3A_155 : i32
        %add3A_157 = arith.constant 80 : i32
        %add3A_158 = arith.addi %mul3A_156, %add3A_157 : i32
        %get3A_159 = arith.index_cast %add3A_158 : i32 to index
        %get3A_160 = tpu.vector_load %arg7[%get3A_159] {strides = array<i32>} : memref<16384xi32, #tpu.memory_space<vmem>>, vector<16xi32>,
        %broadcast_in_dim3A_161 = arith.constant true
        %broadcast_in_dim3A_162 = vector.broadcast %broadcast_in_dim3A_161 : i1 to vector<16xi1>
        %masked_cumsum3A_163 = tpu.scan <sum>, %get3A_160 masked %broadcast_in_dim3A_162 : vector<16xi32>, vector<16xi1> -> vector<16xi32>
        %add3A_164 = arith.addi %add3A_154, %masked_cumsum3A_163 : vector<16xi32>
        %sub3A_165 = arith.subi %add3A_164, %get3A_160 : vector<16xi32>
        %add3A_166 = vector.broadcast %add3A_158 : i32 to vector<16xi32>
        %add3A_167 = arith.addi %add3A_166, %iota3A : vector<16xi32>
        %ne3A_168 = arith.constant 0 : i32
        %ne3A_169 = vector.broadcast %ne3A_168 : i32 to vector<16xi32>
        %ne3A_170 = arith.cmpi ne, %get3A_160, %ne3A_169 : vector<16xi32>
        tpu.vector_store_idx %arg11[%sub3A_165], %add3A_167 masked %ne3A_170 : memref<1024xi32, #tpu.memory_space<vmem>>[vector<16xi32>], vector<16xi32>, vector<16xi1>
        %lt3A_171 = arith.constant 0 : i32
        %lt3A_172 = vector.broadcast %lt3A_171 : i32 to vector<16xi32>
        %lt3A_173 = arith.cmpi slt, %broadcast_in_dim3A_6, %lt3A_172 : vector<16xi32>
        %add3A_174 = arith.constant 16 : i32
        %add3A_175 = vector.broadcast %add3A_174 : i32 to vector<16xi32>
        %add3A_176 = arith.addi %broadcast_in_dim3A_6, %add3A_175 : vector<16xi32>
        %select_n3A_177 = arith.select %lt3A_173, %add3A_176, %broadcast_in_dim3A_6 : vector<16xi1>, vector<16xi32>
        %reshape3A_178 = vector.shape_cast %select_n3A_177 : vector<16xi32> to vector<16x1xi32>
        %gather3A_179 = vector.shape_cast %reshape3A_178 : vector<16x1xi32> to vector<16xi32>
        %gather3A_180 = tpu.dynamic_gather %masked_cumsum3A_163[%gather3A_179] in [0] : vector<16xi32>, vector<16xi32> -> vector<16xi32>
        %add3A_181 = arith.addi %add3A_154, %gather3A_180 : vector<16xi32>
        %mul3A_182 = arith.constant 128 : i32
        %mul3A_183 = arith.muli %scan3A_28, %mul3A_182 : i32
        %add3A_184 = arith.constant 96 : i32
        %add3A_185 = arith.addi %mul3A_183, %add3A_184 : i32
        %get3A_186 = arith.index_cast %add3A_185 : i32 to index
        %get3A_187 = tpu.vector_load %arg7[%get3A_186] {strides = array<i32>} : memref<16384xi32, #tpu.memory_space<vmem>>, vector<16xi32>,
        %broadcast_in_dim3A_188 = arith.constant true
        %broadcast_in_dim3A_189 = vector.broadcast %broadcast_in_dim3A_188 : i1 to vector<16xi1>
        %masked_cumsum3A_190 = tpu.scan <sum>, %get3A_187 masked %broadcast_in_dim3A_189 : vector<16xi32>, vector<16xi1> -> vector<16xi32>
        %add3A_191 = arith.addi %add3A_181, %masked_cumsum3A_190 : vector<16xi32>
        %sub3A_192 = arith.subi %add3A_191, %get3A_187 : vector<16xi32>
        %add3A_193 = vector.broadcast %add3A_185 : i32 to vector<16xi32>
        %add3A_194 = arith.addi %add3A_193, %iota3A : vector<16xi32>
        %ne3A_195 = arith.constant 0 : i32
        %ne3A_196 = vector.broadcast %ne3A_195 : i32 to vector<16xi32>
        %ne3A_197 = arith.cmpi ne, %get3A_187, %ne3A_196 : vector<16xi32>
        tpu.vector_store_idx %arg11[%sub3A_192], %add3A_194 masked %ne3A_197 : memref<1024xi32, #tpu.memory_space<vmem>>[vector<16xi32>], vector<16xi32>, vector<16xi1>
        %lt3A_198 = arith.constant 0 : i32
        %lt3A_199 = vector.broadcast %lt3A_198 : i32 to vector<16xi32>
        %lt3A_200 = arith.cmpi slt, %broadcast_in_dim3A_6, %lt3A_199 : vector<16xi32>
        %add3A_201 = arith.constant 16 : i32
        %add3A_202 = vector.broadcast %add3A_201 : i32 to vector<16xi32>
        %add3A_203 = arith.addi %broadcast_in_dim3A_6, %add3A_202 : vector<16xi32>
        %select_n3A_204 = arith.select %lt3A_200, %add3A_203, %broadcast_in_dim3A_6 : vector<16xi1>, vector<16xi32>
        %reshape3A_205 = vector.shape_cast %select_n3A_204 : vector<16xi32> to vector<16x1xi32>
        %gather3A_206 = vector.shape_cast %reshape3A_205 : vector<16x1xi32> to vector<16xi32>
        %gather3A_207 = tpu.dynamic_gather %masked_cumsum3A_190[%gather3A_206] in [0] : vector<16xi32>, vector<16xi32> -> vector<16xi32>
        %add3A_208 = arith.addi %add3A_181, %gather3A_207 : vector<16xi32>
        %mul3A_209 = arith.constant 128 : i32
        %mul3A_210 = arith.muli %scan3A_28, %mul3A_209 : i32
        %add3A_211 = arith.constant 112 : i32
        %add3A_212 = arith.addi %mul3A_210, %add3A_211 : i32
        %get3A_213 = arith.index_cast %add3A_212 : i32 to index
        %get3A_214 = tpu.vector_load %arg7[%get3A_213] {strides = array<i32>} : memref<16384xi32, #tpu.memory_space<vmem>>, vector<16xi32>,
        %broadcast_in_dim3A_215 = arith.constant true
        %broadcast_in_dim3A_216 = vector.broadcast %broadcast_in_dim3A_215 : i1 to vector<16xi1>
        %masked_cumsum3A_217 = tpu.scan <sum>, %get3A_214 masked %broadcast_in_dim3A_216 : vector<16xi32>, vector<16xi1> -> vector<16xi32>
        %add3A_218 = arith.addi %add3A_208, %masked_cumsum3A_217 : vector<16xi32>
        %sub3A_219 = arith.subi %add3A_218, %get3A_214 : vector<16xi32>
        %add3A_220 = vector.broadcast %add3A_212 : i32 to vector<16xi32>
        %add3A_221 = arith.addi %add3A_220, %iota3A : vector<16xi32>
        %ne3A_222 = arith.constant 0 : i32
        %ne3A_223 = vector.broadcast %ne3A_222 : i32 to vector<16xi32>
        %ne3A_224 = arith.cmpi ne, %get3A_214, %ne3A_223 : vector<16xi32>
        tpu.vector_store_idx %arg11[%sub3A_219], %add3A_221 masked %ne3A_224 : memref<1024xi32, #tpu.memory_space<vmem>>[vector<16xi32>], vector<16xi32>, vector<16xi1>
        %lt3A_225 = arith.constant 0 : i32
        %lt3A_226 = vector.broadcast %lt3A_225 : i32 to vector<16xi32>
        %lt3A_227 = arith.cmpi slt, %broadcast_in_dim3A_6, %lt3A_226 : vector<16xi32>
        %add3A_228 = arith.constant 16 : i32
        %add3A_229 = vector.broadcast %add3A_228 : i32 to vector<16xi32>
        %add3A_230 = arith.addi %broadcast_in_dim3A_6, %add3A_229 : vector<16xi32>
        %select_n3A_231 = arith.select %lt3A_227, %add3A_230, %broadcast_in_dim3A_6 : vector<16xi1>, vector<16xi32>
        %reshape3A_232 = vector.shape_cast %select_n3A_231 : vector<16xi32> to vector<16x1xi32>
        %gather3A_233 = vector.shape_cast %reshape3A_232 : vector<16x1xi32> to vector<16xi32>
        %gather3A_234 = tpu.dynamic_gather %masked_cumsum3A_217[%gather3A_233] in [0] : vector<16xi32>, vector<16xi32> -> vector<16xi32>
        %add3A_235 = arith.addi %add3A_208, %gather3A_234 : vector<16xi32>
        scf.yield %add3A_235 : vector<16xi32>
      }
      %scan3A_27 = arith.constant 128 : i32
      "tpu.region"() ({
        %run_scoped3A_28 = tpu.sem_alloc : memref<!tpu.dma_semaphore, #tpu.memory_space<semaphore_mem>>
        tpu.enqueue_dma source(%arg11 : memref<1024xi32, #tpu.memory_space<vmem>>) target(%arg6 : memref<1024xi32, #tpu.memory_space<hbm>>) target_semaphore(%run_scoped3A_28 : memref<!tpu.dma_semaphore, #tpu.memory_space<semaphore_mem>>)
        tpu.wait_dma2 semaphore(%run_scoped3A_28 : memref<!tpu.dma_semaphore, #tpu.memory_space<semaphore_mem>>) src(%arg11 : memref<1024xi32, #tpu.memory_space<vmem>>) dst(%arg6 : memref<1024xi32, #tpu.memory_space<hbm>>)
        tpu.yield
      }) : () -> ()
    } else {
    }
    return
  }
}

module attributes {stable_mosaic.version = 14 : i64} {
  func.func @_dist_body(%arg0: i32, %arg1: memref<1024x256xf32, #tpu.memory_space<vmem>>, %arg2: memref<1024x256xf32, #tpu.memory_space<vmem>>, %arg3: memref<1024xf32, #tpu.memory_space<vmem>>, %arg4: memref<1x1024xi32, #tpu.memory_space<vmem>>, %arg5: memref<1x1024xf32, #tpu.memory_space<vmem>>, %arg6: memref<1x1024xi32, #tpu.memory_space<vmem>>) attributes {dimension_semantics = [#tpu.dimension_semantics<arbitrary>], iteration_bounds = array<i64: 16>, scalar_prefetch = 0 : i64, scratch_operands = 2 : i64, tpu.core_type = #tpu.core_type<tc>, window_params = [{transform_indices = @transform_0, window_bounds = array<i64: 1024, 256>}, {pipeline_mode = #tpu.pipeline_mode<synchronous>, transform_indices = @transform_1, window_bounds = array<i64: 1024, 256>}, {transform_indices = @transform_2, window_bounds = array<i64: 1024>}, {pipeline_mode = #tpu.pipeline_mode<synchronous>, transform_indices = @transform_3, window_bounds = array<i64: 1, 1024>}]} {
    %get3A = arith.constant 0 : index
    %get3A_0 = arith.constant 0 : index
    %get3A_1 = vector.load %arg1[%get3A, %get3A_0] : memref<1024x256xf32, #tpu.memory_space<vmem>>, vector<1024x256xf32>
    %get3A_2 = arith.constant 0 : index
    %get3A_3 = arith.constant 0 : index
    %get3A_4 = vector.load %arg2[%get3A_2, %get3A_3] : memref<1024x256xf32, #tpu.memory_space<vmem>>, vector<1024x256xf32>
    %mul3A = arith.mulf %get3A_1, %get3A_1 : vector<1024x256xf32>
    %reduce_sum3A = arith.constant dense<0.000000e+00> : vector<1024xf32>
    %reduce_sum3A_5 = vector.multi_reduction <add>, %mul3A, %reduce_sum3A [1] : vector<1024x256xf32> to vector<1024xf32>
    %broadcast_in_dim3A = vector.shape_cast %reduce_sum3A_5 : vector<1024xf32> to vector<1024x1xf32>
    %mul3A_6 = arith.mulf %get3A_4, %get3A_4 : vector<1024x256xf32>
    %reduce_sum3A_7 = arith.constant dense<0.000000e+00> : vector<1024xf32>
    %reduce_sum3A_8 = vector.multi_reduction <add>, %mul3A_6, %reduce_sum3A_7 [1] : vector<1024x256xf32> to vector<1024xf32>
    %broadcast_in_dim3A_9 = vector.shape_cast %reduce_sum3A_8 : vector<1024xf32> to vector<1x1024xf32>
    %dot_general3A = arith.constant dense<0.000000e+00> : vector<1024x1024xf32>
    %dot_general3A_10 = tpu.matmul %get3A_1, %get3A_4, %dot_general3A {dimension_numbers = #tpu.dot_dimension_numbers<[1], [1], [0], [0], [0, 0, 1, 0], [], []>, transpose_lhs_hint = false} : vector<1024x256xf32>, vector<1024x256xf32>, vector<1024x1024xf32> -> vector<1024x1024xf32>
    %add3A = vector.broadcast %broadcast_in_dim3A : vector<1024x1xf32> to vector<1024x1024xf32>
    %add3A_11 = vector.broadcast %broadcast_in_dim3A_9 : vector<1x1024xf32> to vector<1024x1024xf32>
    %add3A_12 = arith.addf %add3A, %add3A_11 : vector<1024x1024xf32>
    %mul3A_13 = arith.constant 2.000000e+00 : f32
    %mul3A_14 = vector.broadcast %mul3A_13 : f32 to vector<1024x1024xf32>
    %mul3A_15 = arith.mulf %mul3A_14, %dot_general3A_10 : vector<1024x1024xf32>
    %sub3A = arith.subf %add3A_12, %mul3A_15 : vector<1024x1024xf32>
    %max3A = arith.constant 9.99999996E-13 : f32
    %max3A_16 = vector.broadcast %max3A : f32 to vector<1024x1024xf32>
    %max3A_17 = arith.maximumf %sub3A, %max3A_16 : vector<1024x1024xf32>
    %slice3A = vector.extract_strided_slice %max3A_17 {offsets = [0, 0], sizes = [1024, 128], strides = [1, 1]} : vector<1024x1024xf32> to vector<1024x128xf32>
    %slice3A_18 = vector.extract_strided_slice %max3A_17 {offsets = [0, 128], sizes = [1024, 128], strides = [1, 1]} : vector<1024x1024xf32> to vector<1024x128xf32>
    %min3A = arith.minimumf %slice3A, %slice3A_18 : vector<1024x128xf32>
    %slice3A_19 = vector.extract_strided_slice %max3A_17 {offsets = [0, 256], sizes = [1024, 128], strides = [1, 1]} : vector<1024x1024xf32> to vector<1024x128xf32>
    %min3A_20 = arith.minimumf %min3A, %slice3A_19 : vector<1024x128xf32>
    %slice3A_21 = vector.extract_strided_slice %max3A_17 {offsets = [0, 384], sizes = [1024, 128], strides = [1, 1]} : vector<1024x1024xf32> to vector<1024x128xf32>
    %min3A_22 = arith.minimumf %min3A_20, %slice3A_21 : vector<1024x128xf32>
    %slice3A_23 = vector.extract_strided_slice %max3A_17 {offsets = [0, 512], sizes = [1024, 128], strides = [1, 1]} : vector<1024x1024xf32> to vector<1024x128xf32>
    %min3A_24 = arith.minimumf %min3A_22, %slice3A_23 : vector<1024x128xf32>
    %slice3A_25 = vector.extract_strided_slice %max3A_17 {offsets = [0, 640], sizes = [1024, 128], strides = [1, 1]} : vector<1024x1024xf32> to vector<1024x128xf32>
    %min3A_26 = arith.minimumf %min3A_24, %slice3A_25 : vector<1024x128xf32>
    %slice3A_27 = vector.extract_strided_slice %max3A_17 {offsets = [0, 768], sizes = [1024, 128], strides = [1, 1]} : vector<1024x1024xf32> to vector<1024x128xf32>
    %min3A_28 = arith.minimumf %min3A_26, %slice3A_27 : vector<1024x128xf32>
    %slice3A_29 = vector.extract_strided_slice %max3A_17 {offsets = [0, 896], sizes = [1024, 128], strides = [1, 1]} : vector<1024x1024xf32> to vector<1024x128xf32>
    %min3A_30 = arith.minimumf %min3A_28, %slice3A_29 : vector<1024x128xf32>
    %iota3A = tpu.iota {dimensions = array<i32: 0>} : vector<128x128xi32>
    %iota3A_31 = tpu.iota {dimensions = array<i32: 1>} : vector<128x128xi32>
    %eq3A = arith.cmpi eq, %iota3A, %iota3A_31 : vector<128x128xi32>
    %convert_element_type3A = arith.extui %eq3A : vector<128x128xi1> to vector<128x128xi32>
    %convert_element_type3A_32 = arith.sitofp %convert_element_type3A : vector<128x128xi32> to vector<128x128xf32>
    %bitcast_convert_type3A = tpu.bitcast %min3A_30 : vector<1024x128xf32> -> vector<1024x128xi32>
    %and3A = arith.constant -65536 : i32
    %and3A_33 = vector.broadcast %and3A : i32 to vector<1024x128xi32>
    %and3A_34 = arith.andi %bitcast_convert_type3A, %and3A_33 : vector<1024x128xi32>
    %bitcast_convert_type3A_35 = tpu.bitcast %and3A_34 : vector<1024x128xi32> -> vector<1024x128xf32>
    %sub3A_36 = arith.subf %min3A_30, %bitcast_convert_type3A_35 : vector<1024x128xf32>
    %bitcast_convert_type3A_37 = tpu.bitcast %sub3A_36 : vector<1024x128xf32> -> vector<1024x128xi32>
    %and3A_38 = arith.constant -65536 : i32
    %and3A_39 = vector.broadcast %and3A_38 : i32 to vector<1024x128xi32>
    %and3A_40 = arith.andi %bitcast_convert_type3A_37, %and3A_39 : vector<1024x128xi32>
    %bitcast_convert_type3A_41 = tpu.bitcast %and3A_40 : vector<1024x128xi32> -> vector<1024x128xf32>
    %sub3A_42 = arith.subf %sub3A_36, %bitcast_convert_type3A_41 : vector<1024x128xf32>
    %dot_general3A_43 = arith.constant dense<0.000000e+00> : vector<128x1024xf32>
    %dot_general3A_44 = tpu.matmul %convert_element_type3A_32, %bitcast_convert_type3A_35, %dot_general3A_43 {dimension_numbers = #tpu.dot_dimension_numbers<[1], [1], [0], [0], [0, 0, 1, 0], [], []>, transpose_lhs_hint = false} : vector<128x128xf32>, vector<1024x128xf32>, vector<128x1024xf32> -> vector<128x1024xf32>
    %dot_general3A_45 = arith.constant dense<0.000000e+00> : vector<128x1024xf32>
    %dot_general3A_46 = tpu.matmul %convert_element_type3A_32, %bitcast_convert_type3A_41, %dot_general3A_45 {dimension_numbers = #tpu.dot_dimension_numbers<[1], [1], [0], [0], [0, 0, 1, 0], [], []>, transpose_lhs_hint = false} : vector<128x128xf32>, vector<1024x128xf32>, vector<128x1024xf32> -> vector<128x1024xf32>
    %add3A_47 = arith.addf %dot_general3A_44, %dot_general3A_46 : vector<128x1024xf32>
    %dot_general3A_48 = arith.constant dense<0.000000e+00> : vector<128x1024xf32>
    %dot_general3A_49 = tpu.matmul %convert_element_type3A_32, %sub3A_42, %dot_general3A_48 {dimension_numbers = #tpu.dot_dimension_numbers<[1], [1], [0], [0], [0, 0, 1, 0], [], []>, transpose_lhs_hint = false} : vector<128x128xf32>, vector<1024x128xf32>, vector<128x1024xf32> -> vector<128x1024xf32>
    %add3A_50 = arith.addf %add3A_47, %dot_general3A_49 : vector<128x1024xf32>
    %reduce_min3A = arith.constant dense<0x7F800000> : vector<1024xf32>
    %reduce_min3A_51 = vector.multi_reduction <minimumf>, %add3A_50, %reduce_min3A [0] : vector<128x1024xf32> to vector<1024xf32>
    %sqrt3A = math.sqrt %reduce_min3A_51 : vector<1024xf32>
    %swap3A = arith.constant 0 : index
    %swap3A_52 = vector.load %arg3[%swap3A] : memref<1024xf32, #tpu.memory_space<vmem>>, vector<1024xf32>
    tpu.vector_store %arg3[%swap3A], %sqrt3A {strides = array<i32>} : memref<1024xf32, #tpu.memory_space<vmem>>, vector<1024xf32>,
    %reduce_min3A_53 = arith.constant dense<0x7F800000> : vector<1024xf32>
    %reduce_min3A_54 = vector.multi_reduction <minimumf>, %max3A_17, %reduce_min3A_53 [0] : vector<1024x1024xf32> to vector<1024xf32>
    %sqrt3A_55 = math.sqrt %reduce_min3A_54 : vector<1024xf32>
    %bitcast_convert_type3A_56 = tpu.bitcast %reduce_min3A_54 : vector<1024xf32> -> vector<1024xi32>
    %add3A_57 = arith.constant 1 : i32
    %add3A_58 = vector.broadcast %add3A_57 : i32 to vector<1024xi32>
    %add3A_59 = arith.addi %bitcast_convert_type3A_56, %add3A_58 : vector<1024xi32>
    %bitcast_convert_type3A_60 = tpu.bitcast %add3A_59 : vector<1024xi32> -> vector<1024xf32>
    %sqrt3A_61 = math.sqrt %bitcast_convert_type3A_60 : vector<1024xf32>
    %eq3A_62 = arith.cmpf oeq, %sqrt3A_61, %sqrt3A_55 : vector<1024xf32>
    %select_n3A = arith.select %eq3A_62, %bitcast_convert_type3A_60, %reduce_min3A_54 : vector<1024xi1>, vector<1024xf32>
    %add3A_63 = arith.constant 2 : i32
    %add3A_64 = vector.broadcast %add3A_63 : i32 to vector<1024xi32>
    %add3A_65 = arith.addi %bitcast_convert_type3A_56, %add3A_64 : vector<1024xi32>
    %bitcast_convert_type3A_66 = tpu.bitcast %add3A_65 : vector<1024xi32> -> vector<1024xf32>
    %sqrt3A_67 = math.sqrt %bitcast_convert_type3A_66 : vector<1024xf32>
    %eq3A_68 = arith.cmpf oeq, %sqrt3A_67, %sqrt3A_55 : vector<1024xf32>
    %select_n3A_69 = arith.select %eq3A_68, %bitcast_convert_type3A_66, %select_n3A : vector<1024xi1>, vector<1024xf32>
    %add3A_70 = arith.constant 3 : i32
    %add3A_71 = vector.broadcast %add3A_70 : i32 to vector<1024xi32>
    %add3A_72 = arith.addi %bitcast_convert_type3A_56, %add3A_71 : vector<1024xi32>
    %bitcast_convert_type3A_73 = tpu.bitcast %add3A_72 : vector<1024xi32> -> vector<1024xf32>
    %sqrt3A_74 = math.sqrt %bitcast_convert_type3A_73 : vector<1024xf32>
    %eq3A_75 = arith.cmpf oeq, %sqrt3A_74, %sqrt3A_55 : vector<1024xf32>
    %select_n3A_76 = arith.select %eq3A_75, %bitcast_convert_type3A_73, %select_n3A_69 : vector<1024xi1>, vector<1024xf32>
    %add3A_77 = arith.constant 4 : i32
    %add3A_78 = vector.broadcast %add3A_77 : i32 to vector<1024xi32>
    %add3A_79 = arith.addi %bitcast_convert_type3A_56, %add3A_78 : vector<1024xi32>
    %bitcast_convert_type3A_80 = tpu.bitcast %add3A_79 : vector<1024xi32> -> vector<1024xf32>
    %sqrt3A_81 = math.sqrt %bitcast_convert_type3A_80 : vector<1024xf32>
    %eq3A_82 = arith.cmpf oeq, %sqrt3A_81, %sqrt3A_55 : vector<1024xf32>
    %select_n3A_83 = arith.select %eq3A_82, %bitcast_convert_type3A_80, %select_n3A_76 : vector<1024xi1>, vector<1024xf32>
    %add3A_84 = arith.constant 5 : i32
    %add3A_85 = vector.broadcast %add3A_84 : i32 to vector<1024xi32>
    %add3A_86 = arith.addi %bitcast_convert_type3A_56, %add3A_85 : vector<1024xi32>
    %bitcast_convert_type3A_87 = tpu.bitcast %add3A_86 : vector<1024xi32> -> vector<1024xf32>
    %sqrt3A_88 = math.sqrt %bitcast_convert_type3A_87 : vector<1024xf32>
    %eq3A_89 = arith.cmpf oeq, %sqrt3A_88, %sqrt3A_55 : vector<1024xf32>
    %select_n3A_90 = arith.select %eq3A_89, %bitcast_convert_type3A_87, %select_n3A_83 : vector<1024xi1>, vector<1024xf32>
    %add3A_91 = arith.constant 6 : i32
    %add3A_92 = vector.broadcast %add3A_91 : i32 to vector<1024xi32>
    %add3A_93 = arith.addi %bitcast_convert_type3A_56, %add3A_92 : vector<1024xi32>
    %bitcast_convert_type3A_94 = tpu.bitcast %add3A_93 : vector<1024xi32> -> vector<1024xf32>
    %sqrt3A_95 = math.sqrt %bitcast_convert_type3A_94 : vector<1024xf32>
    %eq3A_96 = arith.cmpf oeq, %sqrt3A_95, %sqrt3A_55 : vector<1024xf32>
    %select_n3A_97 = arith.select %eq3A_96, %bitcast_convert_type3A_94, %select_n3A_90 : vector<1024xi1>, vector<1024xf32>
    %iota3A_98 = tpu.iota {dimensions = array<i32: 0>} : vector<1024x1024xi32>
    %broadcast_in_dim3A_99 = vector.shape_cast %select_n3A_97 : vector<1024xf32> to vector<1x1024xf32>
    %le3A = vector.broadcast %broadcast_in_dim3A_99 : vector<1x1024xf32> to vector<1024x1024xf32>
    %le3A_100 = arith.cmpf ole, %max3A_17, %le3A : vector<1024x1024xf32>
    %jit3A = arith.constant 16384 : i32
    %broadcast_in_dim3A_101 = vector.broadcast %jit3A : i32 to vector<1024x1024xi32>
    %select_n3A_102 = arith.select %le3A_100, %iota3A_98, %broadcast_in_dim3A_101 : vector<1024x1024xi1>, vector<1024x1024xi32>
    %reduce_min3A_103 = arith.constant dense<2147483647> : vector<1024xi32>
    %reduce_min3A_104 = vector.multi_reduction <minsi>, %select_n3A_102, %reduce_min3A_103 [0] : vector<1024x1024xi32> to vector<1024xi32>
    %mul3A_105 = arith.constant 1024 : i32
    %mul3A_106 = arith.muli %arg0, %mul3A_105 : i32
    %add3A_107 = vector.broadcast %mul3A_106 : i32 to vector<1024xi32>
    %add3A_108 = arith.addi %reduce_min3A_104, %add3A_107 : vector<1024xi32>
    %eq3A_109 = arith.constant 0 : i32
    %eq3A_110 = arith.cmpi eq, %arg0, %eq3A_109 : i32
    %convert_element_type3A_111 = arith.extui %eq3A_110 : i1 to i32
    %cond3A = arith.constant 0 : i32
    %cond3A_112 = arith.cmpi ne, %convert_element_type3A_111, %cond3A : i32
    scf.if %cond3A_112 {
      %swap3A_122 = arith.constant 0 : index
      %swap3A_123 = arith.constant 0 : index
      %swap3A_124 = vector.load %arg5[%swap3A_122, %swap3A_123] : memref<1x1024xf32, #tpu.memory_space<vmem>>, vector<1x1024xf32>
      %swap3A_125 = vector.shape_cast %swap3A_124 : vector<1x1024xf32> to vector<1024xf32>
      %swap3A_126 = vector.shape_cast %sqrt3A_55 : vector<1024xf32> to vector<1x1024xf32>
      tpu.vector_store %arg5[%swap3A_122, %swap3A_123], %swap3A_126 {strides = array<i32>} : memref<1x1024xf32, #tpu.memory_space<vmem>>, vector<1x1024xf32>,
      %swap3A_127 = arith.constant 0 : index
      %swap3A_128 = arith.constant 0 : index
      %swap3A_129 = vector.load %arg6[%swap3A_127, %swap3A_128] : memref<1x1024xi32, #tpu.memory_space<vmem>>, vector<1x1024xi32>
      %swap3A_130 = vector.shape_cast %swap3A_129 : vector<1x1024xi32> to vector<1024xi32>
      %swap3A_131 = vector.shape_cast %add3A_108 : vector<1024xi32> to vector<1x1024xi32>
      tpu.vector_store %arg6[%swap3A_127, %swap3A_128], %swap3A_131 {strides = array<i32>} : memref<1x1024xi32, #tpu.memory_space<vmem>>, vector<1x1024xi32>,
    } else {
    }
    %gt3A = arith.constant 0 : i32
    %gt3A_113 = arith.cmpi sgt, %arg0, %gt3A : i32
    %convert_element_type3A_114 = arith.extui %gt3A_113 : i1 to i32
    %cond3A_115 = arith.constant 0 : i32
    %cond3A_116 = arith.cmpi ne, %convert_element_type3A_114, %cond3A_115 : i32
    scf.if %cond3A_116 {
      %get3A_122 = arith.constant 0 : index
      %get3A_123 = arith.constant 0 : index
      %get3A_124 = vector.load %arg5[%get3A_122, %get3A_123] : memref<1x1024xf32, #tpu.memory_space<vmem>>, vector<1x1024xf32>
      %get3A_125 = vector.shape_cast %get3A_124 : vector<1x1024xf32> to vector<1024xf32>
      %lt3A = arith.cmpf olt, %sqrt3A_55, %get3A_125 : vector<1024xf32>
      %select_n3A_126 = arith.select %lt3A, %sqrt3A_55, %get3A_125 : vector<1024xi1>, vector<1024xf32>
      %swap3A_127 = arith.constant 0 : index
      %swap3A_128 = arith.constant 0 : index
      %swap3A_129 = vector.load %arg5[%swap3A_127, %swap3A_128] : memref<1x1024xf32, #tpu.memory_space<vmem>>, vector<1x1024xf32>
      %swap3A_130 = vector.shape_cast %swap3A_129 : vector<1x1024xf32> to vector<1024xf32>
      %swap3A_131 = vector.shape_cast %select_n3A_126 : vector<1024xf32> to vector<1x1024xf32>
      tpu.vector_store %arg5[%swap3A_127, %swap3A_128], %swap3A_131 {strides = array<i32>} : memref<1x1024xf32, #tpu.memory_space<vmem>>, vector<1x1024xf32>,
      %get3A_132 = arith.constant 0 : index
      %get3A_133 = arith.constant 0 : index
      %get3A_134 = vector.load %arg6[%get3A_132, %get3A_133] : memref<1x1024xi32, #tpu.memory_space<vmem>>, vector<1x1024xi32>
      %get3A_135 = vector.shape_cast %get3A_134 : vector<1x1024xi32> to vector<1024xi32>
      %select_n3A_136 = arith.select %lt3A, %add3A_108, %get3A_135 : vector<1024xi1>, vector<1024xi32>
      %swap3A_137 = arith.constant 0 : index
      %swap3A_138 = arith.constant 0 : index
      %swap3A_139 = vector.load %arg6[%swap3A_137, %swap3A_138] : memref<1x1024xi32, #tpu.memory_space<vmem>>, vector<1x1024xi32>
      %swap3A_140 = vector.shape_cast %swap3A_139 : vector<1x1024xi32> to vector<1024xi32>
      %swap3A_141 = vector.shape_cast %select_n3A_136 : vector<1024xi32> to vector<1x1024xi32>
      tpu.vector_store %arg6[%swap3A_137, %swap3A_138], %swap3A_141 {strides = array<i32>} : memref<1x1024xi32, #tpu.memory_space<vmem>>, vector<1x1024xi32>,
    } else {
    }
    %eq3A_117 = arith.constant 15 : i32
    %eq3A_118 = arith.cmpi eq, %arg0, %eq3A_117 : i32
    %convert_element_type3A_119 = arith.extui %eq3A_118 : i1 to i32
    %cond3A_120 = arith.constant 0 : i32
    %cond3A_121 = arith.cmpi ne, %convert_element_type3A_119, %cond3A_120 : i32
    scf.if %cond3A_121 {
      %get3A_122 = arith.constant 0 : index
      %get3A_123 = arith.constant 0 : index
      %get3A_124 = vector.load %arg6[%get3A_122, %get3A_123] : memref<1x1024xi32, #tpu.memory_space<vmem>>, vector<1x1024xi32>
      %get3A_125 = vector.shape_cast %get3A_124 : vector<1x1024xi32> to vector<1024xi32>
      %swap3A_126 = arith.constant 0 : index
      %swap3A_127 = arith.constant 0 : index
      %swap3A_128 = vector.load %arg4[%swap3A_126, %swap3A_127] : memref<1x1024xi32, #tpu.memory_space<vmem>>, vector<1x1024xi32>
      %swap3A_129 = vector.shape_cast %swap3A_128 : vector<1x1024xi32> to vector<1024xi32>
      %swap3A_130 = vector.shape_cast %get3A_125 : vector<1024xi32> to vector<1x1024xi32>
      tpu.vector_store %arg4[%swap3A_126, %swap3A_127], %swap3A_130 {strides = array<i32>} : memref<1x1024xi32, #tpu.memory_space<vmem>>, vector<1x1024xi32>,
    } else {
    }
    return
  }
  func.func @transform_0(%arg0: i32) -> (i32, i32) {
    %c0_i32 = arith.constant 0 : i32
    %c0_i32_0 = arith.constant 0 : i32
    return %arg0, %c0_i32 : i32, i32
  }
  func.func @transform_1(%arg0: i32) -> (i32, i32) {
    %c0_i32 = arith.constant 0 : i32
    %c0_i32_0 = arith.constant 0 : i32
    %c0_i32_1 = arith.constant 0 : i32
    return %c0_i32, %c0_i32_0 : i32, i32
  }
  func.func @transform_2(%arg0: i32) -> i32 {
    %c0_i32 = arith.constant 0 : i32
    return %arg0 : i32
  }
  func.func @transform_3(%arg0: i32) -> (i32, i32) {
    %c0_i32 = arith.constant 0 : i32
    %c0_i32_0 = arith.constant 0 : i32
    %c0_i32_1 = arith.constant 0 : i32
    return %c0_i32, %c0_i32_0 : i32, i32
  }
}

</mosaic_0001>

<sc_bundles>
// kernel: kernel.4.cloned.1.call-start
scs
__scs_entry_jumppad:
0x0: {  	(pc) =	sbr.rel $0x88, $3  }
0x1: {  	(tag) =	ssettag $0x0;
	lr =	simm.s32 $0x1  }
0x2: {  	[smem:$0x3F9F] =	sst lr;
	_ =	strace $0xD0000000  }
0x3: {  	_ = 	snop  }
0x4: {  	_ = 	snop  }
0x5: {  	_ = 	snop  }
0x6: {  	_ = 	snop  }
0x7: {  	_ = 	snop  }
__scs_overlays_trampoline_lowered:
0x8: {  	[smem:$0x3FAE] =	sst s0  }
0x9: {  	[smem:$0x3FAF] =	sst s1  }
0xa: {  	[smem:$0x3FB0] =	sst s2  }
0xb: {  	[smem:$0x3FB1] =	sst s3  }
0xc: {  	[smem:$0x3FB2] =	sst s4  }
0xd: {  	[smem:$0x3FB3] =	sst s5  }
0xe: {  	[smem:$0x3FB4] =	sst s6  }
0xf: {  	[smem:$0x3FB5] =	sst s7  }
0x10: {  	[smem:$0x3FB6] =	sst s8  }
0x11: {  	[smem:$0x3FB7] =	sst s9;
	s0 =	simm.s32 @!p0 $0x0  }
0x12: {  	s1 =	sld [smem:$0x3F9D];
	s0 =	simm.s32 @p0 $0x1  }
0x13: {  	[smem:$0x3FB8] =	sst s0;
	s0 =	simm.s32 @!p1 $0x0  }
0x14: {  	s2 =	sld [smem:$0x3F9C];
	s0 =	simm.s32 @p1 $0x1  }
0x15: {  	[smem:$0x3FB9] =	sst s0;
	s0 =	simm.s32 @!p2 $0x0  }
0x16: {  	s3 =	sld [smem:$0x3FDB];
	s0 =	simm.s32 @p2 $0x1  }
0x17: {  	s4 =	simm.s32 $0x1BF5;
	[smem:$0x3FBB] =	sst s0  }
0x18: {  	s0 =	sld [smem:$0x3F9E];
	_ =	swait.ge [sflag:s4], $0x0  }
0x19: {  	s7 =	sld [smem:$0x3F9F]  }
0x1a: {  	s8 =	sadd.s32 $0xFFFFE003, lr  }
0x1b: {  	s9 =	sadd.s32 $0xFFFFFEF7, lr;
	s5 =	simm.s32 $0xFFFFFFFF;
	p2 =	slt.u32 s8, $0xFFFFF086  }
0x1c: {  	p1 =	slt.u32 s9, $0xF7A;
	s5 =	simm.s32 @!p2 $0x0  }
0x1d: {  	s5 =	simm.s32 @p1 $0x1;
	p0 =	seq.s32 s7, s2  }
0x1e: {  	s7 =	smul.u32 @!p0 $0xF7A, s2;
	p2 =	seq.s32 @!p0 s5, $0x0  }
0x1f: {  	s9 =	smul.u32 $0xF7A, s1;
	s8 =	simm.s32 @!p0 $0x1BF5;
	p2 =	por !p2, p0  }
0x20: {  	[sflag:s8] =	ssyncset.s32 @!p0 $0xFFFFF086;
	s6 =	sadd.s32 @!p0 s3, s7;
	s7 =	simm.s32 @!p0 $0x108  }
0x21: {  	s3 =	sadd.s32 s3, s9;
	s6 =	sadd.s32 @!p0 $0x88, s6;
	s7 =	simm.s32 @p2 $0x1082  }
0x22: {  	[simem:s7], [sflag:s8] =	dma.local @!p0 [hbm:s6], $0xF7A  }
0x23: {  	s9 =	sor.u32 $0xD0000000, s2;
	s6 =	simm.s32 $0x108;
	_ =	swait.ge @!p0 [sflag:s8], $0x0  }
0x24: {  	s3 =	sadd.s32 $0x88, s3;
	s6 =	simm.s32 @!p1 $0x1082;
	[sflag:s4] =	ssyncset.s32 $0xFFFFF086  }
0x25: {  	[simem:s6], [sflag:s4] =	dma.local [hbm:s3], $0xF7A  }
0x26: {  	[smem:$0x3F9F] =	sst s1;
	(tag) =	ssettag s2;
	_ =	strace s9  }
0x27: {  	s1 =	sld [smem:$0x3FAF]  }
0x28: {  	s2 =	sld [smem:$0x3FB0]  }
0x29: {  	s4 =	sld [smem:$0x3FB2]  }
0x2a: {  	p0 =	seq.s32 s5, $0x0;
	s5 =	sld [smem:$0x3FB3]  }
0x2b: {  	s6 =	sld [smem:$0x3FB4]  }
0x2c: {  	s7 =	sld [smem:$0x3FB5]  }
0x2d: {  	s3 =	simm.s32 $0x108;
	s8 =	sld [smem:$0x3FB6]  }
0x2e: {  	s3 =	simm.s32 @!p0 $0x1082;
	s9 =	sld [smem:$0x3FB7]  }
0x2f: {  	lr =	sadd.s32 s0, s3;
	s0 =	sld [smem:$0x3FAE]  }
0x30: {  	s3 =	sld [smem:$0x3FB1]  }
0x31: {  	[smem:$0x3FBA] =	sst s10  }
0x32: {  	s10 =	sld [smem:$0x3FB8];
	_ =	sdelay $0x3  }
0x33: {  	p0 =	seq.s32 s10, $0x1;
	s10 =	sld [smem:$0x3FBA];
	_ =	sdelay $0x3  }
0x34: {  	[smem:$0x3FBA] =	sst s10  }
0x35: {  	s10 =	sld [smem:$0x3FB9];
	_ =	sdelay $0x3  }
0x36: {  	p1 =	seq.s32 s10, $0x1;
	s10 =	sld [smem:$0x3FBA];
	_ =	sdelay $0x3  }
0x37: {  	[smem:$0x3FBA] =	sst s10  }
0x38: {  	s10 =	sld [smem:$0x3FBB]  }
0x39: {  	_ = 	snop;
	(pc) =	sbr.ind lr, $3  }
0x3a: {  	_ = 	snop  }
0x3b: {  	_ = 	snop  }
0x3c: {  	p2 =	seq.s32 s10, $0x1;
	s10 =	sld [smem:$0x3FBA]  }
0x3d: {  	_ =	shalt  }
0x3e: {  	_ =	shalt  }
0x3f: {  	_ =	shalt  }
0x40: {  	_ =	shalt  }
0x41: {  	_ =	shalt  }
0x42: {  	_ =	shalt  }
0x43: {  	_ =	shalt  }
0x44: {  	_ =	shalt  }
0x45: {  	_ =	shalt  }
0x46: {  	_ =	shalt  }
0x47: {  	_ =	shalt  }
0x48: {  	_ =	shalt  }
0x49: {  	_ =	shalt  }
0x4a: {  	_ =	shalt  }
0x4b: {  	_ =	shalt  }
0x4c: {  	_ =	shalt  }
0x4d: {  	_ =	shalt  }
0x4e: {  	_ =	shalt  }
0x4f: {  	_ =	shalt  }
0x50: {  	_ =	shalt  }
0x51: {  	_ =	shalt  }
0x52: {  	_ =	shalt  }
0x53: {  	_ =	shalt  }
0x54: {  	_ =	shalt  }
0x55: {  	_ =	shalt  }
0x56: {  	_ =	shalt  }
0x57: {  	_ =	shalt  }
0x58: {  	_ =	shalt  }
0x59: {  	_ =	shalt  }
0x5a: {  	_ =	shalt  }
0x5b: {  	_ =	shalt  }
0x5c: {  	_ =	shalt  }
0x5d: {  	_ =	shalt  }
0x5e: {  	_ =	shalt  }
0x5f: {  	_ =	shalt  }
0x60: {  	_ =	shalt  }
0x61: {  	_ =	shalt  }
0x62: {  	_ =	shalt  }
0x63: {  	_ =	shalt  }
0x64: {  	_ =	shalt  }
0x65: {  	_ =	shalt  }
0x66: {  	_ =	shalt  }
0x67: {  	_ =	shalt  }
0x68: {  	_ =	shalt  }
0x69: {  	_ =	shalt  }
0x6a: {  	_ =	shalt  }
0x6b: {  	_ =	shalt  }
0x6c: {  	_ =	shalt  }
0x6d: {  	_ =	shalt  }
0x6e: {  	_ =	shalt  }
0x6f: {  	_ =	shalt  }
0x70: {  	_ =	shalt  }
0x71: {  	_ =	shalt  }
0x72: {  	_ =	shalt  }
0x73: {  	_ =	shalt  }
0x74: {  	_ =	shalt  }
0x75: {  	_ =	shalt  }
0x76: {  	_ =	shalt  }
0x77: {  	_ =	shalt  }
0x78: {  	_ =	shalt  }
0x79: {  	_ =	shalt  }
0x7a: {  	_ =	shalt  }
0x7b: {  	_ =	shalt  }
0x7c: {  	_ =	shalt  }
0x7d: {  	_ =	shalt  }
0x7e: {  	_ =	shalt  }
0x7f: {  	_ =	shalt  }
0x80: {  	_ =	shalt  }
0x81: {  	_ =	shalt  }
0x82: {  	_ =	shalt  }
0x83: {  	_ =	shalt  }
0x84: {  	_ =	shalt  }
0x85: {  	_ =	shalt  }
0x86: {  	_ =	shalt  }
0x87: {  	_ =	shalt  }
.Lfunc_end0:
.L_simem_size_0:
called_computation_lowered:
.L_overlay_start_0:
0x88: {  	s0 =	sld [smem:$0x3FD9]  }
0x89: {  	s1 =	sld [smem:$0x3FFE];
	_ =	sdelay $0x3  }
0x8a: {  	s0 =	sadd.s32 s1, s0  }
0x8b: {  	[smem:$0x3FC6] =	sst s0  }
0x8c: {  	_ = 	snop  }
0x8d: {  	s0 =	sld [smem:$0x3FD0];
	_ =	sdelay $0x2  }
0x8e: {  	s13 =	simm.s32 $0xA;
	s2 =	simm.s32 $0x10  }
0x8f: {  	[smem:s2], [sflag:s13] =	dma.local [hbm:s0], $0x1  }
0x90: {  	_ =	swait.eq [sflag:s13], $0x1  }
0x91: {  	[sflag:s13] =	ssyncset.done $0x0  }
0x92: {  	s14 =	sld [smem:$0x10];
	[sflag:s13] =	ssyncadd.s32 $0xFFFFFFFF  }
0x93: {  	s15 =	sld [smem:$0x12];
	(tm) =	ssettm $0x1  }
0x94: {  	s16 =	sld [smem:$0x3FFB];
	_ =	sdelay $0x3  }
0x95: {  	_ =	strace s16  }
0x96: {  	s2 =	sld [smem:$0x3FFC];
	_ =	sdelay $0x3  }
0x97: {  	_ =	strace s2  }
0x98: {  	s2 =	sld [smem:$0x3FFD];
	_ =	sdelay $0x3  }
0x99: {  	_ =	strace s2  }
0x9a: {  	_ =	strace $0x8FFFFFFF  }
0x9b: {  	s17 =	sld [smem:$0x3FDB];
	_ =	sdelay $0x1  }
0x9c: {  	s3 =	simm.s32 $_scs_section_size  }
0x9d: {  	s4 =	simm.s32 $_size__tile_overlayer_lowered;
	s5 =	simm.s32 $_tile_overlayer_lowered  }
0x9e: {  	s20 =	simm.s32 $0x1BFF;
	s19 =	sshll.u32 s5, $0x1;
	s2 =	sadd.s32 s3, s17  }
0x9f: {  	s6 =	simm.s32 $0x0;
	s18 =	sshll.u32 s4, $0x1;
	s4 =	sadd.s32 s19, s2  }
0xa0: {  	[timem:s6], [sflag:s20] =	dma.local [hbm:s4], s18  }
0xa1: {  	_ =	swait.ge [sflag:s20], s18  }
0xa2: {  	s3 =	ssub.s32 $0x0, s18;
	[sflag:s20] =	ssyncset.done $0x0  }
0xa3: {  	[sflag:s20] =	ssyncadd.s32 s3;
	_ =	sdelay $0x1  }
0xa4: {  	s21 =	simm.s32 $0x1B8B  }
0xa5: {  	_ =	swait.ge [sflag:s21], $0x1  }
0xa6: {  	[sflag:s21] =	ssyncset.done $0x0  }
0xa7: {  	s23 =	simm.s32 $0x1B8E;
	s22 =	sld [smem:$0x3FFE];
	[sflag:s21] =	ssyncadd.s32 $0xFFFFFFFF  }
0xa8: {  	s24 =	simm.s32 $execute0_lowered;
	[smem:$0x3FD2] =	sst s23  }
0xa9: {  	s4 =	sshll.u32 s24, $0x1;
	_ =	strace $0x80000046;
	[dreg:$0x1] =	wrdreg $0xFFFFFFFF  }
0xaa: {  	s25 =	simm.s32 $_size_execute0_lowered;
	s2 =	sadd.s32 s2, s4;
	[dreg:$0x0] =	wrdreg $0x0  }
0xab: {  	s4 =	sshll.u32 s25, $0x1;
	[dreg:$0x2] =	wrdreg s2  }
0xac: {  	[dreg:$0x3] =	wrdreg s4  }
0xad: {  	[dreg:$0x4] =	wrdreg $0xC0  }
0xae: {  	_ =	task [dreg:s6], $0x5FFFF  }
0xaf: {  	[dreg:$0x1] =	wrdreg $0xFFFFFFFF  }
0xb0: {  	[dreg:$0x0] =	wrdreg $0x60  }
0xb1: {  	[dreg:$0x2] =	wrdreg s22  }
0xb2: {  	[dreg:$0x3] =	wrdreg s15  }
0xb3: {  	[dreg:$0x4] =	wrdreg s14  }
0xb4: {  	[dreg:$0x5] =	wrdreg $0x9  }
0xb5: {  	_ =	task.clear_ibuf [dreg:s6], $0x6FFFF;
	_ =	strace $0x90000046  }
0xb6: {  	s26 =	simm.s32 $0x9;
	_ =	strace $0x80000048  }
0xb7: {  	_ =	swait.ge [sflag:s26], $0x1  }
0xb8: {  	[sflag:s26] =	ssyncadd.s32 $0xFFFFFFFF  }
0xb9: {  	_ =	strace $0x90000048  }
0xba: {  	_ =	sfence  }
0xbb: {  	s28 =	sld [smem:$0x0];
	_ =	sdelay $0x1  }
0xbc: {  	s29 =	srdreg.scid  }
0xbd: {  	s30 =	sshll.u32 s29, $0xD;
	s31 =	sshrl.u32 s29, $0x2  }
0xbe: {  	s1 =	sand.u32 $0x1, s29;
	s2 =	sand.u32 $0x4000, s30;
	s0 =	sadd.s32 s31, s28  }
0xbf: {  	s1 =	sor.u32 s2, s1;
	s0 =	sshll.u32 s0, $0x11  }
0xc0: {  	s0 =	sor.u32 s0, s1  }
0xc1: {  	s0 =	sadd.s32 $0x8F2B, s0  }
0xc2: {  	[sflag:s0] =	ssyncadd.remote.s32 $0x1  }
0xc3: {  	_ =	sfence.sel $0xFFFF  }
0xc4: {  	[dreg:$0x0] =	wrdreg $0xFFFFFFFF;
	(pc) =	sbr.abs _section_cstart, $3  }
0xc5: {  	[dreg:$0x1] =	wrdreg $0xFFFFFFFF  }
0xc6: {  	_ =	task.clear_ibuf [dreg:s6], $0x2FFFF;
	_ =	strace $0x9FFFFFFF  }
0xc7: {  	(tm) =	ssettm $0x7FFFFFFF  }
tec
execute0_lowered:
.L_overlay_start_1:
0x0: {  	(tag) =	ssettag $0x1  }
0x1: {  	s2 =	stileid.u32  }
0x2: {  	p0 =	sne.s32 s2, $0x0  }
.Ltmp0:
0x3: {  	_ = 	snop;
	(pc) =	sbr.rel @p0 .LBB2_8-.Ltmp0, $4  }
0x4: {  	s3 =	rddreg [dreg:$0x0]  }
0x5: {  	s4 =	rddreg [dreg:$0x1]  }
0x6: {  	s1 =	rddreg [dreg:$0x2]  }
0x7: {  	s0 =	rddreg [dreg:$0x3];
	_ =	strace $0x80000047  }
0x8: {  	s2 =	simm.s32 $0x0;
	s25 =	simm.s32 $0x1  }
0x9: {  	[tilespmem:s2], [sflag:$0x1] =	stream.linear.gather [hbm4b:s4+s2], $0x4000, $0x38;
	[tilespmem:$0x5800] =	vst v63  }
0xa: {  	_ =	swait.ge [sflag:s25], $0x4000  }
0xb: {  	[sflag:s25] =	ssyncset.done $0x0  }
0xc: {  	s5 =	sadd.s32 $0x1000, s3;
	s6 =	simm.s32 $0x4000;
	[sflag:s25] =	ssyncadd.s32 $0xFFFFC000  }
0xd: {  	[tilespmem:s6], [sflag:$0x1] =	stream.linear.gather [hbm4b:s5+s2], $0x400, $0x38;
	[tilespmem:$0x5800] =	vst v63  }
0xe: {  	_ =	swait.ge [sflag:s25], $0x400  }
0xf: {  	[sflag:s25] =	ssyncset.done $0x0  }
0x10: {  	s26 =	sadd.s32 $0x1400, s3;
	s28 =	simm.s32 $0x4400;
	[sflag:s25] =	ssyncadd.s32 $0xFFFFFC00  }
0x11: {  	[tilespmem:s28], [sflag:$0x1] =	stream.linear.gather [hbm4b:s26+s2], $0x800, $0x38;
	[tilespmem:$0x5800] =	vst v63  }
0x12: {  	_ =	swait.ge [sflag:s25], $0x800  }
0x13: {  	[sflag:s25] =	ssyncset.done $0x0  }
0x14: {  	s29 =	sadd.s32 $0x1200, s3;
	s30 =	simm.s32 $0x4C00;
	[sflag:s25] =	ssyncadd.s32 $0xFFFFF800  }
0x15: {  	[tilespmem:s30], [sflag:$0x1] =	stream.linear.gather [hbm4b:s29+s2], $0x800, $0x38;
	[tilespmem:$0x5800] =	vst v63  }
0x16: {  	_ =	swait.ge [sflag:s25], $0x800  }
0x17: {  	[sflag:s25] =	ssyncset.done $0x0  }
0x18: {  	s31 =	simm.s32 $0x4020;
	[sflag:s25] =	ssyncadd.s32 $0xFFFFF800  }
0x19: {  	v1 =	vld [tilespmem:s31+$0xFFFFFFE0];
	_ =	sdelay $0x6  }
0x1a: {  	v0 =	vimm.s32 $0x1  }
0x1b: {  	v2 =	vld.idx.msk [tilespmem:v1+s2+$0x0], $0xffff;
	[tilespmem:v1+s2+$0x0] =	vst.idx.msk $0xffff, v0  }
0x1c: {  	v3 =	vld [tilespmem:s31+$0xFFFFFFF0];
	_ =	sdelay $0x7  }
0x1d: {  	v4 =	vld.idx.msk [tilespmem:v3+s2+$0x0], $0xffff;
	[tilespmem:v3+s2+$0x0] =	vst.idx.msk $0xffff, v0  }
0x1e: {  	v5 =	vld [tilespmem:s31+$0x0];
	_ =	sdelay $0x7  }
0x1f: {  	(xrf1) =	vunique.msk.u32 $0xffff, v1;
	v6 =	vld.idx.msk [tilespmem:v5+s2+$0x0], $0xffff;
	[tilespmem:v5+s2+$0x0] =	vst.idx.msk $0xffff, v0  }
0x20: {  	(xrf1) =	vunique.msk.u32 $0xffff, v3;
	v1 =	vld [tilespmem:s31+$0x10]  }
0x21: {  	(xrf1) =	vunique.msk.u32 $0xffff, v5;
	_ =	sdelay $0x6  }
0x22: {  	s3 =	simm.s32 $0x4060;
	(xrf1) =	vunique.msk.u32 $0xffff, v1;
	v3 =	vld.idx.msk [tilespmem:v1+s2+$0x0], $0xffff;
	[tilespmem:v1+s2+$0x0] =	vst.idx.msk $0xffff, v0  }
0x23: {  	v5 =	vld [tilespmem:s3+$0xFFFFFFE0];
	_ =	sdelay $0x3  }
0x24: {  	_, v1, vm0 =	vpop (xrf1)  }
0x25: {  	vm2 =	veq.s32 v4, $0x0;
	_, v1, vm1 =	vpop (xrf1);
	(xrf1) =	vunique.msk.u32 $0xffff, v5  }
0x26: {  	v1 =	vimm.s32 $0x0;
	vm1 =	vmand vm1, vm2;
	vm2 =	veq.s32 v6, $0x0;
	_, v4, vm3 =	vpop (xrf1)  }
0x27: {  	v4 =	vsel vm1, $0x1, v1;
	vm1 =	vmand vm3, vm2;
	vm2 =	veq.s32 v2, $0x0  }
0x28: {  	vm0 =	vmand vm0, vm2;
	(xrf0) =	vadd.scan.msk.s32 $0xffff, v4;
	v2 =	vsel vm1, $0x1, v1  }
0x29: {  	(xrf0) =	vadd.scan.msk.s32 $0xffff, v2;
	v2 =	vsel vm0, $0x1, v1;
	_ =	sdelay $0x1  }
0x2a: {  	(xrf0) =	vadd.scan.msk.s32 $0xffff, v2;
	_ =	sdelay $0x1  }
0x2b: {  	vm0 =	veq.s32 v3, $0x0;
	v4 =	vld.idx.msk [tilespmem:v5+s2+$0x0], $0xffff;
	[tilespmem:v5+s2+$0x0] =	vst.idx.msk $0xffff, v0;
	_, v2, vm1 =	vpop (xrf1)  }
0x2c: {  	v5 =	vld [tilespmem:s3+$0xFFFFFFF0];
	vm0 =	vmand vm1, vm0  }
0x2d: {  	v3, _, _ =	vpop (xrf0);
	v2 =	vsel vm0, $0x1, v1  }
0x2e: {  	v6, _, _ =	vpop (xrf0);
	(xrf0) =	vadd.scan.msk.s32 $0xffff, v2  }
0x2f: {  	v7, _, _ =	vpop (xrf0);
	v2 =	vimm.s32 $0xF  }
0x30: {  	v7 =	vperm.xlane v7, v2  }
0x31: {  	vm0 =	veq.s32 v4, $0x0;
	_, v4, vm1 =	vpop (xrf1);
	(xrf1) =	vunique.msk.u32 $0xffff, v5;
	_ =	sdelay $0x1  }
0x32: {  	v8 =	vperm.xlane v3, v2  }
0x33: {  	v9 =	vperm.xlane v6, v2;
	v6 =	vadd.s32 v1, v7;
	v7, _, _ =	vpop (xrf0)  }
0x34: {  	v3 =	vld.idx.msk [tilespmem:v5+s2+$0x0], $0xffff;
	[tilespmem:v5+s2+$0x0] =	vst.idx.msk $0xffff, v0;
	v8 =	vadd.s32 v8, v6;
	v4 =	vperm.xlane v7, v2  }
0x35: {  	s4 =	simm.s32 $0x4;
	v6 =	vld [tilespmem:s3+$0x0];
	v5 =	vadd.s32 v9, v8;
	vm0 =	vmand vm1, vm0  }
.LBB2_2:
0x36: {  	s4 =	sadd.s32 $0x4, s4;
	v4 =	vadd.s32 v4, v5  }
0x37: {  	p1 =	slt.u32 s4, $0x3C;
	_ =	sdelay $0x2  }
0x38: {  	(xrf1) =	vunique.msk.u32 $0xffff, v6;
	_ =	sdelay $0x2  }
0x39: {  	v5 =	vld.idx.msk [tilespmem:v6+s2+$0x0], $0xffff  }
0x3a: {  	vm1 =	veq.s32 v3, $0x0;
	[tilespmem:v6+s2+$0x0] =	vst.idx.msk $0xffff, v0;
	_, v3, vm2 =	vpop (xrf1)  }
0x3b: {  	vm1 =	vmand vm2, vm1;
	v3 =	vld [tilespmem:s3+$0x10]  }
0x3c: {  	v6 =	vsel vm1, $0x1, v1  }
0x3d: {  	(xrf0) =	vadd.scan.msk.s32 $0xffff, v6;
	_ =	sdelay $0x2  }
0x3e: {  	(xrf1) =	vunique.msk.u32 $0xffff, v3;
	_ =	sdelay $0x2  }
0x3f: {  	v6 =	vld.idx.msk [tilespmem:v3+s2+$0x0], $0xffff;
	v7, _, _ =	vpop (xrf0)  }
0x40: {  	s3 =	sadd.s32 $0x40, s3;
	vm1 =	veq.s32 v5, $0x0;
	v7 =	vperm.xlane v7, v2;
	[tilespmem:v3+s2+$0x0] =	vst.idx.msk $0xffff, v0;
	_, v3, vm2 =	vpop (xrf1)  }
0x41: {  	v3 =	vld [tilespmem:s3+$0xFFFFFFE0];
	vm1 =	vmand vm2, vm1  }
0x42: {  	v5 =	vsel vm1, $0x1, v1  }
0x43: {  	(xrf0) =	vadd.scan.msk.s32 $0xffff, v5;
	_ =	sdelay $0x2  }
0x44: {  	(xrf1) =	vunique.msk.u32 $0xffff, v3;
	_ =	sdelay $0x2  }
0x45: {  	v8 =	vsel vm0, $0x1, v1;
	v5 =	vld.idx.msk [tilespmem:v3+s2+$0x0], $0xffff;
	v9, _, _ =	vpop (xrf0)  }
0x46: {  	vm0 =	veq.s32 v6, $0x0;
	[tilespmem:v3+s2+$0x0] =	vst.idx.msk $0xffff, v0;
	v9 =	vperm.xlane v9, v2;
	(xrf0) =	vadd.scan.msk.s32 $0xffff, v8;
	_, v3, vm1 =	vpop (xrf1)  }
0x47: {  	v6 =	vld [tilespmem:s3+$0xFFFFFFF0];
	vm0 =	vmand vm1, vm0  }
0x48: {  	v3 =	vsel vm0, $0x1, v1  }
0x49: {  	(xrf0) =	vadd.scan.msk.s32 $0xffff, v3;
	_ =	sdelay $0x2  }
0x4a: {  	(xrf1) =	vunique.msk.u32 $0xffff, v6;
	v3, _, _ =	vpop (xrf0)  }
0x4b: {  	v10 =	vperm.xlane v3, v2  }
.Ltmp1:
0x4c: {  	(pc) =	sbr.rel @p1 .LBB2_2-.Ltmp1, $4  }
0x4d: {  	v3 =	vld.idx.msk [tilespmem:v6+s2+$0x0], $0xffff;
	v4 =	vadd.s32 v4, v10;
	v8, _, _ =	vpop (xrf0)  }
0x4e: {  	vm0 =	veq.s32 v5, $0x0;
	_, v5, vm1 =	vpop (xrf1)  }
0x4f: {  	[tilespmem:v6+s2+$0x0] =	vst.idx.msk $0xffff, v0;
	v5 =	vadd.s32 v7, v4;
	v4 =	vperm.xlane v8, v2  }
0x50: {  	vm0 =	vmand vm1, vm0;
	v6 =	vld [tilespmem:s3+$0x0];
	v5 =	vadd.s32 v9, v5  }
0x51: {  	_ =	sdelay $0x7  }
0x52: {  	v7 =	vld.idx.msk [tilespmem:v6+s2+$0x0], $0xffff;
	[tilespmem:v6+s2+$0x0] =	vst.idx.msk $0xffff, v0  }
0x53: {  	v8 =	vld [tilespmem:s3+$0x10];
	_ =	sdelay $0x1  }
0x54: {  	(xrf1) =	vunique.msk.u32 $0xffff, v6;
	_ =	sdelay $0x2  }
0x55: {  	(xrf1) =	vunique.msk.u32 $0xffff, v8;
	_ =	sdelay $0x8  }
0x56: {  	vm2 =	veq.s32 v3, $0x0;
	v3 =	vld.idx.msk [tilespmem:v8+s2+$0x0], $0xffff  }
0x57: {  	_, v61, vm1 =	vpop (xrf1)  }
0x58: {  	vm1 =	vmand vm1, vm2;
	vm13 =	veq.s32 v7, $0x0;
	_, v6, vm3 =	vpop (xrf1)  }
0x59: {  	vm2 =	vmand vm3, vm13;
	v6 =	vsel vm1, $0x1, v1  }
0x5a: {  	(xrf0) =	vadd.scan.msk.s32 $0xffff, v6;
	v62 =	vsel vm2, $0x1, v1  }
0x5b: {  	v63 =	vsel vm0, $0x1, v1;
	vm14 =	veq.s32 v3, $0x0;
	(xrf0) =	vadd.scan.msk.s32 $0xffff, v62;
	_, v3, vm15 =	vpop (xrf1)  }
0x5c: {  	(xrf0) =	vadd.scan.msk.s32 $0xffff, v63;
	vm0 =	vmand vm15, vm14  }
0x5d: {  	v1 =	vsel vm0, $0x1, v1;
	_ =	sdelay $0x1  }
0x5e: {  	(xrf0) =	vadd.scan.msk.s32 $0xffff, v1  }
0x5f: {  	v1, _, _ =	vpop (xrf0)  }
0x60: {  	v3, _, _ =	vpop (xrf0)  }
0x61: {  	v6, _, _ =	vpop (xrf0)  }
0x62: {  	v6 =	vperm.xlane v6, v2  }
0x63: {  	v4 =	vadd.s32 v4, v5;
	v1 =	vperm.xlane v1, v2  }
0x64: {  	v3 =	vperm.xlane v3, v2;
	v5, _, _ =	vpop (xrf0);
	v4 =	vadd.s32 v4, v6  }
0x65: {  	v2 =	vperm.xlane v5, v2;
	v1 =	vadd.s32 v1, v4  }
0x66: {  	s4 =	simm.s32 $0x4420;
	[tilespmem:v8+s2+$0x0] =	vst.idx.msk $0xffff, v0;
	v0 =	vimm.s32 $0x0;
	v1 =	vadd.s32 v3, v1  }
0x67: {  	s5 =	simm.s32 $0x0;
	s3 =	simm.s32 $0xFFFFFFFC;
	s2 =	simm.s32 $0x4C20;
	v3 =	vadd.s32 v2, v1;
	v1 =	vimm.s32 $0x1;
	v2 =	vimm.s32 $0xF  }
.LBB2_4:
0x68: {  	v4 =	vld [tilespmem:s4+$0xFFFFFFE0];
	_ =	sdelay $0x6  }
0x69: {  	v5 =	vld [tilespmem:s2+$0xFFFFFFE0]  }
0x6a: {  	v6 =	vld.idx.msk [tilespmem:v4+s5+$0x0], $0xffff;
	_ =	sdelay $0x4  }
0x6b: {  	vm0 =	vne.s32 v5, $0x0;
	vm1 =	veq.s32 v6, $0x0  }
0x6c: {  	vm0 =	vmand vm0, vm1  }
0x6d: {  	v5 =	vsel vm0, $0x1, v0  }
0x6e: {  	(xrf0) =	vadd.scan.msk.s32 $0xffff, v5;
	_ =	sdelay $0x5  }
0x6f: {  	v5, _, _ =	vpop (xrf0)  }
0x70: {  	v52 =	vadd.s32 v3, v5  }
0x71: {  	vm14 =	vlt.s32 v52, $0x401  }
0x72: {  	vm0 =	vmand vm0, vm14;
	_ =	sdelay $0x5  }
0x73: {  	[tilespmem:v4+s5+$0x0] =	vst.idx.msk vm0, v1  }
0x74: {  	v4 =	vld [tilespmem:s4+$0xFFFFFFF0];
	_ =	sdelay $0x6  }
0x75: {  	v53 =	vld [tilespmem:s2+$0xFFFFFFF0]  }
0x76: {  	v7 =	vld.idx.msk [tilespmem:v4+s5+$0x0], $0xffff;
	_ =	sdelay $0x4  }
0x77: {  	vm15 =	vne.s32 v53, $0x0;
	vm4 =	veq.s32 v7, $0x0  }
0x78: {  	vm0 =	vmand vm15, vm4  }
0x79: {  	v54 =	vsel vm0, $0x1, v0  }
0x7a: {  	(xrf0) =	vadd.scan.msk.s32 $0xffff, v54;
	_ =	sdelay $0x1  }
0x7b: {  	v5 =	vperm.xlane v5, v2;
	_ =	sdelay $0x1  }
0x7c: {  	v3 =	vadd.s32 v3, v5  }
0x7d: {  	vm5 =	vlt.s32 v3, $0x400  }
0x7e: {  	v3 =	vnsel vm5, $0x400, v3;
	v5, _, _ =	vpop (xrf0)  }
0x7f: {  	v55 =	vadd.s32 v3, v5  }
0x80: {  	vm6 =	vlt.s32 v55, $0x401  }
0x81: {  	vm0 =	vmand vm0, vm6;
	_ =	sdelay $0x5  }
0x82: {  	[tilespmem:v4+s5+$0x0] =	vst.idx.msk vm0, v1  }
0x83: {  	v4 =	vld [tilespmem:s4+$0x0];
	_ =	sdelay $0x6  }
0x84: {  	v56 =	vld [tilespmem:s2+$0x0]  }
0x85: {  	v57 =	vld.idx.msk [tilespmem:v4+s5+$0x0], $0xffff;
	_ =	sdelay $0x4  }
0x86: {  	vm7 =	vne.s32 v56, $0x0;
	vm8 =	veq.s32 v57, $0x0  }
0x87: {  	vm0 =	vmand vm7, vm8  }
0x88: {  	v58 =	vsel vm0, $0x1, v0  }
0x89: {  	(xrf0) =	vadd.scan.msk.s32 $0xffff, v58;
	_ =	sdelay $0x1  }
0x8a: {  	v5 =	vperm.xlane v5, v2;
	_ =	sdelay $0x1  }
0x8b: {  	v3 =	vadd.s32 v3, v5  }
0x8c: {  	vm9 =	vlt.s32 v3, $0x400  }
0x8d: {  	v3 =	vnsel vm9, $0x400, v3;
	v5, _, _ =	vpop (xrf0)  }
0x8e: {  	v59 =	vadd.s32 v3, v5  }
0x8f: {  	vm10 =	vlt.s32 v59, $0x401  }
0x90: {  	vm0 =	vmand vm0, vm10;
	_ =	sdelay $0x5  }
0x91: {  	[tilespmem:v4+s5+$0x0] =	vst.idx.msk vm0, v1  }
0x92: {  	v4 =	vld [tilespmem:s4+$0x10];
	_ =	sdelay $0x6  }
0x93: {  	v60 =	vld [tilespmem:s2+$0x10]  }
0x94: {  	v61 =	vld.idx.msk [tilespmem:v4+s5+$0x0], $0xffff;
	_ =	sdelay $0x4  }
0x95: {  	vm11 =	vne.s32 v60, $0x0;
	vm12 =	veq.s32 v61, $0x0  }
0x96: {  	vm0 =	vmand vm11, vm12  }
0x97: {  	v62 =	vsel vm0, $0x1, v0  }
0x98: {  	(xrf0) =	vadd.scan.msk.s32 $0xffff, v62;
	_ =	sdelay $0x1  }
0x99: {  	v5 =	vperm.xlane v5, v2;
	_ =	sdelay $0x1  }
0x9a: {  	v3 =	vadd.s32 v3, v5  }
0x9b: {  	vm13 =	vlt.s32 v3, $0x400  }
0x9c: {  	v3 =	vnsel vm13, $0x400, v3;
	v5, _, _ =	vpop (xrf0)  }
0x9d: {  	v63 =	vadd.s32 v3, v5  }
0x9e: {  	vm14 =	vlt.s32 v63, $0x401  }
0x9f: {  	s3 =	sadd.s32 $0x4, s3;
	vm0 =	vmand vm0, vm14  }
0xa0: {  	p1 =	slt.u32 s3, $0x7C  }
.Ltmp2:
0xa1: {  	v5 =	vperm.xlane v5, v2;
	(pc) =	sbr.rel @p1 .LBB2_4-.Ltmp2, $4  }
0xa2: {  	_ = 	snop  }
0xa3: {  	v3 =	vadd.s32 v3, v5  }
0xa4: {  	vm15 =	vlt.s32 v3, $0x400  }
0xa5: {  	s2 =	sadd.s32 $0x40, s2;
	s4 =	sadd.s32 $0x40, s4;
	v3 =	vnsel vm15, $0x400, v3;
	[tilespmem:v4+s5+$0x0] =	vst.idx.msk vm0, v1  }
0xa6: {  	v2 =	vimm.s32 $0x0;
	s2 =	simm.s32 $0x70;
	s3 =	simm.s32 $0x40;
	v0 =	vlaneseq.u32;
	s4 =	simm.s32 $0x5400;
	v1 =	vimm.s32 $0xF  }
.LBB2_6:
0xa7: {  	v3 =	vld [tilespmem:s3+$0xFFFFFFC0];
	_ =	sdelay $0x4  }
0xa8: {  	(xrf0) =	vadd.scan.msk.s32 $0xffff, v3;
	_ =	sdelay $0x5  }
0xa9: {  	v5 =	vsub.s32 v2, v3;
	vm0 =	vne.s32 v3, $0x0;
	v4, _, _ =	vpop (xrf0)  }
0xaa: {  	v3 =	vadd.s32 v4, v5;
	_ =	sdelay $0x2  }
0xab: {  	s5 =	sadd.s32 $0xFFFFFF90, s2  }
0xac: {  	v42 =	vor.u32 s5, v0  }
0xad: {  	[tilespmem:v3+s4+$0x0] =	vst.idx.msk vm0, v42  }
0xae: {  	v3 =	vld [tilespmem:s3+$0xFFFFFFD0];
	_ =	sdelay $0x4  }
0xaf: {  	(xrf0) =	vadd.scan.msk.s32 $0xffff, v3;
	_ =	sdelay $0x2  }
0xb0: {  	v4 =	vperm.xlane v4, v1;
	_ =	sdelay $0x1  }
0xb1: {  	v2 =	vadd.s32 v2, v4  }
0xb2: {  	v44 =	vsub.s32 v2, v3;
	vm9 =	vne.s32 v3, $0x0;
	v43, _, _ =	vpop (xrf0)  }
0xb3: {  	v3 =	vadd.s32 v43, v44;
	_ =	sdelay $0x2  }
0xb4: {  	s25 =	sadd.s32 $0xFFFFFFA0, s2  }
0xb5: {  	v45 =	vor.u32 s25, v0  }
0xb6: {  	[tilespmem:v3+s4+$0x0] =	vst.idx.msk vm9, v45  }
0xb7: {  	v3 =	vld [tilespmem:s3+$0xFFFFFFE0];
	_ =	sdelay $0x4  }
0xb8: {  	(xrf0) =	vadd.scan.msk.s32 $0xffff, v3;
	_ =	sdelay $0x2  }
0xb9: {  	v4 =	vperm.xlane v43, v1;
	_ =	sdelay $0x1  }
0xba: {  	v2 =	vadd.s32 v2, v4  }
0xbb: {  	v47 =	vsub.s32 v2, v3;
	vm10 =	vne.s32 v3, $0x0;
	v46, _, _ =	vpop (xrf0)  }
0xbc: {  	v3 =	vadd.s32 v46, v47;
	_ =	sdelay $0x2  }
0xbd: {  	s26 =	sadd.s32 $0xFFFFFFB0, s2  }
0xbe: {  	v48 =	vor.u32 s26, v0  }
0xbf: {  	[tilespmem:v3+s4+$0x0] =	vst.idx.msk vm10, v48  }
0xc0: {  	v3 =	vld [tilespmem:s3+$0xFFFFFFF0];
	_ =	sdelay $0x4  }
0xc1: {  	(xrf0) =	vadd.scan.msk.s32 $0xffff, v3;
	_ =	sdelay $0x2  }
0xc2: {  	v4 =	vperm.xlane v46, v1;
	_ =	sdelay $0x1  }
0xc3: {  	v2 =	vadd.s32 v2, v4  }
0xc4: {  	v50 =	vsub.s32 v2, v3;
	vm11 =	vne.s32 v3, $0x0;
	v49, _, _ =	vpop (xrf0)  }
0xc5: {  	v3 =	vadd.s32 v49, v50;
	_ =	sdelay $0x2  }
0xc6: {  	s28 =	sadd.s32 $0xFFFFFFC0, s2  }
0xc7: {  	v51 =	vor.u32 s28, v0  }
0xc8: {  	[tilespmem:v3+s4+$0x0] =	vst.idx.msk vm11, v51  }
0xc9: {  	v3 =	vld [tilespmem:s3+$0x0];
	_ =	sdelay $0x4  }
0xca: {  	(xrf0) =	vadd.scan.msk.s32 $0xffff, v3;
	_ =	sdelay $0x2  }
0xcb: {  	v4 =	vperm.xlane v49, v1;
	_ =	sdelay $0x1  }
0xcc: {  	v2 =	vadd.s32 v2, v4  }
0xcd: {  	v53 =	vsub.s32 v2, v3;
	vm12 =	vne.s32 v3, $0x0;
	v52, _, _ =	vpop (xrf0)  }
0xce: {  	v3 =	vadd.s32 v52, v53;
	_ =	sdelay $0x2  }
0xcf: {  	s29 =	sadd.s32 $0xFFFFFFD0, s2  }
0xd0: {  	v54 =	vor.u32 s29, v0  }
0xd1: {  	[tilespmem:v3+s4+$0x0] =	vst.idx.msk vm12, v54  }
0xd2: {  	v3 =	vld [tilespmem:s3+$0x10];
	_ =	sdelay $0x4  }
0xd3: {  	(xrf0) =	vadd.scan.msk.s32 $0xffff, v3;
	_ =	sdelay $0x2  }
0xd4: {  	v4 =	vperm.xlane v52, v1;
	_ =	sdelay $0x1  }
0xd5: {  	v2 =	vadd.s32 v2, v4  }
0xd6: {  	v56 =	vsub.s32 v2, v3;
	vm13 =	vne.s32 v3, $0x0;
	v55, _, _ =	vpop (xrf0)  }
0xd7: {  	v3 =	vadd.s32 v55, v56;
	_ =	sdelay $0x2  }
0xd8: {  	s30 =	sadd.s32 $0xFFFFFFE0, s2  }
0xd9: {  	v57 =	vor.u32 s30, v0  }
0xda: {  	[tilespmem:v3+s4+$0x0] =	vst.idx.msk vm13, v57  }
0xdb: {  	v3 =	vld [tilespmem:s3+$0x20];
	_ =	sdelay $0x4  }
0xdc: {  	(xrf0) =	vadd.scan.msk.s32 $0xffff, v3;
	_ =	sdelay $0x2  }
0xdd: {  	v4 =	vperm.xlane v55, v1;
	_ =	sdelay $0x1  }
0xde: {  	v2 =	vadd.s32 v2, v4  }
0xdf: {  	v59 =	vsub.s32 v2, v3;
	vm14 =	vne.s32 v3, $0x0;
	v58, _, _ =	vpop (xrf0)  }
0xe0: {  	v3 =	vadd.s32 v58, v59;
	_ =	sdelay $0x2  }
0xe1: {  	s31 =	sadd.s32 $0xFFFFFFF0, s2  }
0xe2: {  	v60 =	vor.u32 s31, v0  }
0xe3: {  	[tilespmem:v3+s4+$0x0] =	vst.idx.msk vm14, v60  }
0xe4: {  	v3 =	vld [tilespmem:s3+$0x30];
	_ =	sdelay $0x4  }
0xe5: {  	(xrf0) =	vadd.scan.msk.s32 $0xffff, v3;
	_ =	sdelay $0x2  }
0xe6: {  	v4 =	vperm.xlane v58, v1;
	_ =	sdelay $0x1  }
0xe7: {  	v2 =	vadd.s32 v2, v4  }
0xe8: {  	v62 =	vsub.s32 v2, v3;
	vm15 =	vne.s32 v3, $0x0;
	v61, _, _ =	vpop (xrf0)  }
0xe9: {  	p1 =	sne.s32 s2, $0x3FF0;
	v3 =	vadd.s32 v61, v62  }
.Ltmp3:
0xea: {  	_ = 	snop;
	(pc) =	sbr.rel @p1 .LBB2_6-.Ltmp3, $4  }
0xeb: {  	_ = 	snop  }
0xec: {  	v4 =	vperm.xlane v61, v1  }
0xed: {  	v63 =	vor.u32 s2, v0  }
0xee: {  	s2 =	sadd.s32 $0x80, s2;
	s3 =	sadd.s32 $0x80, s3;
	v2 =	vadd.s32 v2, v4;
	[tilespmem:v3+s4+$0x0] =	vst.idx.msk vm15, v63  }
0xef: {  	s2 =	simm.s32 $0x0;
	s3 =	simm.s32 $0x5400;
	s31 =	simm.s32 $0x1  }
0xf0: {  	[hbm4b:s1+s2] =	stream.linear.scatter [tilespmem:s3], [sflag:$0x1], $0x400, $0x38;
	[tilespmem:$0x5800] =	vst v63  }
0xf1: {  	_ =	swait.ge [sflag:s31], $0x400  }
0xf2: {  	[sflag:s31] =	ssyncset.done $0x0  }
0xf3: {  	[sflag:s31] =	ssyncadd.s32 $0xFFFFFC00  }
.LBB2_8:
0xf4: {  	_ =	sfence.sel $0x180000  }
0xf5: {  	[bflag:$0x0] =	sbarrier.arrive $0xFFFF  }
0xf6: {  	_ =	strace $0x90000047  }
0xf7: {  	s0 =	sadd.s32 @!p0 $0x100000, s0;
	[bflag:$0x2] =	sbarrier.arrive $0xFFFF  }
0xf8: {  	[sflag:s0] =	ssyncadd.tile.s32 @!p0 $0x1;
	_ =	shalt  }
.Lfunc_end2:
_tile_overlayer_lowered:
.L_overlay_start_2:
0xf9: {  	(tag) =	ssettag $0x2  }
0xfa: {  	s0 =	rddreg [dreg:$0x0];
	s2 =	stileid.u32  }
0xfb: {  	s1 =	rddreg [dreg:$0x1];
	p0 =	sne.s32 s2, $0x0  }
0xfc: {  	s3 =	rddreg [dreg:$0x2];
	[bflag:$0x3] =	sbarrier.arrive $0xFFFF;
	s2 =	simm.s32 @!p0 $0x1C01  }
0xfd: {  	[timem:s3], [sflag:s2] =	dma.local @!p0 [hbm:s0], s1  }
0xfe: {  	s0 =	simm.s32 @!p0 $0x1  }
0xff: {  	_ =	swait.ge @!p0 [sflag:s0], s1  }
0x100: {  	s1 =	ssub.s32 @!p0 $0x0, s1;
	[sflag:s0] =	ssyncset.done @!p0 $0x0  }
0x101: {  	[sflag:s0] =	ssyncadd.s32 @!p0 s1  }
0x102: {  	[bflag:$0x3] =	sbarrier.arrive $0xFFFF  }
0x103: {  	_ =	shalt  }

</sc_bundles>
